<compile_context>
chip_gen: v7x
topology: tpu7x:2x2x1
jax: 0.10.2.dev20260603
libtpu: 0.0.44.dev20260713+nightly
codegen_flags: <defaults>
</compile_context>

<pallas_src>
import functools

import jax
import jax.numpy as jnp
from jax import lax
from jax.experimental import pallas as pl
from jax.experimental.pallas import tpu as pltpu
from jax.experimental.pallas import tpu_sc as plsc

T = 2048
H = 1024
H2 = H // 2
E = 8
K = 2
INTER = 512
SI = 1024
BM = 512
NBLK = T * K // BM + E
NR = NBLK * BM
MW = NBLK + 1
NC = 2
NS = 16
NW = NC * NS
TPW = T // NW
TBLK = 512

def _pack(lo_f32, hi_f32):
    mask = jnp.full(lo_f32.shape, 0xFFFF0000, jnp.uint32)
    lo = pltpu.bitcast(lo_f32.astype(jnp.bfloat16).astype(jnp.float32),
                       jnp.uint32) >> 16
    hi = pltpu.bitcast(hi_f32.astype(jnp.bfloat16).astype(jnp.float32),
                       jnp.uint32) & mask
    return pltpu.bitcast(lo | hi, jnp.int32)


def _unpack(word_i32):
    mask = jnp.full(word_i32.shape, 0xFFFF0000, jnp.uint32)
    w = pltpu.bitcast(word_i32, jnp.uint32)
    lo = pltpu.bitcast(w << 16, jnp.float32)
    hi = pltpu.bitcast(w & mask, jnp.float32)
    return lo, hi


def _router_body(x_ref, wg_ref, b_ref, pos0_ref, pos1_ref, w0_ref, w1_ref,
                 meta_ref, xpk_ref):
    x = x_ref[...]
    xpk_ref[...] = _pack(x[:, :H2], x[:, H2:])
    scores = jax.nn.sigmoid(
        jnp.dot(x, wg_ref[...], preferred_element_type=jnp.float32))
    biased = scores + b_ref[...]
    iota = lax.broadcasted_iota(jnp.int32, (T, E), 1)
    m0 = jnp.max(biased, axis=1, keepdims=True)
    sel0 = jnp.min(jnp.where(biased >= m0, iota, E), axis=1, keepdims=True)
    neg = jnp.where(iota == sel0, -jnp.inf, biased)
    m1 = jnp.max(neg, axis=1, keepdims=True)
    sel1 = jnp.min(jnp.where(neg >= m1, iota, E), axis=1, keepdims=True)
    s0 = jnp.sum(jnp.where(iota == sel0, scores, 0.0), axis=1, keepdims=True)
    s1 = jnp.sum(jnp.where(iota == sel1, scores, 0.0), axis=1, keepdims=True)
    denom = s0 + s1 + 1e-20
    w0_ref[...] = jnp.broadcast_to(s0 / denom, (T, 16))
    w1_ref[...] = jnp.broadcast_to(s1 / denom, (T, 16))

    csum = jnp.logical_or(iota == sel0, iota == sel1).astype(jnp.float32)
    shift = 1
    while shift < T:
        shifted = jnp.concatenate(
            [jnp.zeros((shift, E), jnp.float32), csum[:T - shift]], axis=0)
        csum = csum + shifted
        shift *= 2
    counts = csum[T - 1:T, :]
    cnt_pad = jnp.floor((counts + (BM - 1)) / BM) * BM
    er = lax.broadcasted_iota(jnp.int32, (E, E), 0)
    ec = lax.broadcasted_iota(jnp.int32, (E, E), 1)
    upper = (er < ec).astype(jnp.float32)
    offs = jnp.dot(cnt_pad, upper, preferred_element_type=jnp.float32)

    posf0 = jnp.sum(jnp.where(iota == sel0, offs + csum - 1.0, 0.0),
                    axis=1, keepdims=True)
    posf1 = jnp.sum(jnp.where(iota == sel1, offs + csum - 1.0, 0.0),
                    axis=1, keepdims=True)
    pos0_ref[...] = posf0.astype(jnp.int32).reshape(T)
    pos1_ref[...] = posf1.astype(jnp.int32).reshape(T)

    evec = lax.broadcasted_iota(jnp.int32, (1, E), 1)
    off_s = [jnp.sum(jnp.where(evec == e, offs, 0.0)) for e in range(E)]
    cnt_s = [jnp.sum(jnp.where(evec == e, cnt_pad, 0.0)) for e in range(E)]
    nb_total = ((off_s[E - 1] + cnt_s[E - 1]) / BM).astype(jnp.int32)
    bio = lax.broadcasted_iota(jnp.int32, (1, MW), 1)
    bvals = (bio - 1) * BM
    be = sum(((bvals.astype(jnp.float32) >= off_s[e]).astype(jnp.int32))
             for e in range(E)) - 1
    meta_ref[...] = jnp.where(bio == 0, nb_total, be)


def _run_router(x, W_gate, expert_bias):
    return pl.pallas_call(
        _router_body,
        out_shape=(
            jax.ShapeDtypeStruct((T,), jnp.int32),
            jax.ShapeDtypeStruct((T,), jnp.int32),
            jax.ShapeDtypeStruct((T, 16), jnp.float32),
            jax.ShapeDtypeStruct((T, 16), jnp.float32),
            jax.ShapeDtypeStruct((1, MW), jnp.int32),
            jax.ShapeDtypeStruct((T, H2), jnp.int32),
        ),
        in_specs=[
            pl.BlockSpec((T, H), lambda: (0, 0)),
            pl.BlockSpec((H, E), lambda: (0, 0)),
            pl.BlockSpec((1, E), lambda: (0, 0)),
        ],
        out_specs=(
            pl.BlockSpec((T,), lambda: (0,)),
            pl.BlockSpec((T,), lambda: (0,)),
            pl.BlockSpec((T, 16), lambda: (0, 0)),
            pl.BlockSpec((T, 16), lambda: (0, 0)),
            pl.BlockSpec((1, MW), lambda: (0, 0)),
            pl.BlockSpec((T, H2), lambda: (0, 0)),
        ),
    )(x, W_gate, expert_bias.reshape(1, E))


def _dispatch_body(xpk_hbm, p0_hbm, p1_hbm, xs_hbm, xrows, p0v, p1v,
                   sem0, sem1, sem2):
    wid = lax.axis_index("s") * NC + lax.axis_index("c")
    base = wid * TPW
    c0 = pltpu.async_copy(xpk_hbm.at[pl.ds(base, TPW)], xrows, sem0)
    c1 = pltpu.async_copy(p0_hbm.at[pl.ds(base, TPW)], p0v, sem1)
    c2 = pltpu.async_copy(p1_hbm.at[pl.ds(base, TPW)], p1v, sem2)
    c0.wait()
    c1.wait()
    c2.wait()
    a = pltpu.async_copy(xrows, xs_hbm.at[p0v], sem0)
    b = pltpu.async_copy(xrows, xs_hbm.at[p1v], sem1)
    a.wait()
    b.wait()


def _run_dispatch(xpk, pos0, pos1):
    mesh = plsc.VectorSubcoreMesh(core_axis_name="c", subcore_axis_name="s")
    f = functools.partial(
        pl.kernel,
        out_type=jax.ShapeDtypeStruct((NR, H2), jnp.int32),
        mesh=mesh,
        scratch_types=[
            pltpu.VMEM((TPW, H2), jnp.int32),
            pltpu.VMEM((TPW,), jnp.int32),
            pltpu.VMEM((TPW,), jnp.int32),
            pltpu.SemaphoreType.DMA,
            pltpu.SemaphoreType.DMA,
            pltpu.SemaphoreType.DMA,
        ],
    )(_dispatch_body)
    return f(xpk, pos0, pos1)


def _grouped_body(m_ref, xs_ref, wg_ref, wu_ref, wd_ref, ys_ref):
    b = pl.program_id(0)
    active = b < m_ref[0]

    @pl.when(active)
    def _():
        xa, xb_ = _unpack(xs_ref[...])
        hg = (jnp.dot(xa, wg_ref[0, :H2, :],
                      preferred_element_type=jnp.float32)
              + jnp.dot(xb_, wg_ref[0, H2:, :],
                        preferred_element_type=jnp.float32))
        hu = (jnp.dot(xa, wu_ref[0, :H2, :],
                      preferred_element_type=jnp.float32)
              + jnp.dot(xb_, wu_ref[0, H2:, :],
                        preferred_element_type=jnp.float32))
        mid = jax.nn.silu(hg) * hu
        ys = jnp.dot(mid, wd_ref[0], preferred_element_type=jnp.float32)
        ys_ref[...] = _pack(ys[:, :H2], ys[:, H2:])


def _run_grouped(meta1d, xs, Wg, Wu, Wd):
    grid_spec = pltpu.PrefetchScalarGridSpec(
        num_scalar_prefetch=1,
        grid=(NBLK,),
        in_specs=[
            pl.BlockSpec((BM, H2),
                         lambda b, m: (jnp.where(b < m[0], b, m[0] - 1), 0)),
            pl.BlockSpec((1, H, INTER), lambda b, m: (m[b + 1], 0, 0)),
            pl.BlockSpec((1, H, INTER), lambda b, m: (m[b + 1], 0, 0)),
            pl.BlockSpec((1, INTER, H), lambda b, m: (m[b + 1], 0, 0)),
        ],
        out_specs=pl.BlockSpec(
            (BM, H2), lambda b, m: (jnp.where(b < m[0], b, m[0] - 1), 0)),
    )
    return pl.pallas_call(
        _grouped_body,
        grid_spec=grid_spec,
        out_shape=jax.ShapeDtypeStruct((NR, H2), jnp.int32),
    )(meta1d, xs, Wg, Wu, Wd)


def _gather_body(ys_hbm, p0_hbm, p1_hbm, y0g_hbm, y1g_hbm,
                 y0b, y1b, p0v, p1v, sem0, sem1):
    wid = lax.axis_index("s") * NC + lax.axis_index("c")
    base = wid * TPW
    c0 = pltpu.async_copy(p0_hbm.at[pl.ds(base, TPW)], p0v, sem0)
    c1 = pltpu.async_copy(p1_hbm.at[pl.ds(base, TPW)], p1v, sem1)
    c0.wait()
    c1.wait()
    a = pltpu.async_copy(ys_hbm.at[p0v], y0b, sem0)
    b = pltpu.async_copy(ys_hbm.at[p1v], y1b, sem1)
    a.wait()
    c2 = pltpu.async_copy(y0b, y0g_hbm.at[pl.ds(base, TPW)], sem0)
    b.wait()
    c3 = pltpu.async_copy(y1b, y1g_hbm.at[pl.ds(base, TPW)], sem1)
    c2.wait()
    c3.wait()


def _run_gather(ys, pos0, pos1):
    mesh = plsc.VectorSubcoreMesh(core_axis_name="c", subcore_axis_name="s")
    f = functools.partial(
        pl.kernel,
        out_type=(
            jax.ShapeDtypeStruct((T, H2), jnp.int32),
            jax.ShapeDtypeStruct((T, H2), jnp.int32),
        ),
        mesh=mesh,
        scratch_types=[
            pltpu.VMEM((TPW, H2), jnp.int32),
            pltpu.VMEM((TPW, H2), jnp.int32),
            pltpu.VMEM((TPW,), jnp.int32),
            pltpu.VMEM((TPW,), jnp.int32),
            pltpu.SemaphoreType.DMA,
            pltpu.SemaphoreType.DMA,
        ],
    )(_gather_body)
    return f(ys, pos0, pos1)


def _shared_body(xpk_ref, wgs_ref, wus_ref, wds_ref, out_ref):
    xa, xb_ = _unpack(xpk_ref[...])
    hg = (jnp.dot(xa, wgs_ref[:H2, :], preferred_element_type=jnp.float32)
          + jnp.dot(xb_, wgs_ref[H2:, :], preferred_element_type=jnp.float32))
    hu = (jnp.dot(xa, wus_ref[:H2, :], preferred_element_type=jnp.float32)
          + jnp.dot(xb_, wus_ref[H2:, :], preferred_element_type=jnp.float32))
    mid = jax.nn.silu(hg) * hu
    out_ref[...] = jnp.dot(mid, wds_ref[...], preferred_element_type=jnp.float32)


def _run_shared(xpk, Wg_s, Wu_s, Wd_s):
    return pl.pallas_call(
        _shared_body,
        grid=(T // TBLK,),
        out_shape=jax.ShapeDtypeStruct((T, H), jnp.float32),
        in_specs=[
            pl.BlockSpec((TBLK, H2), lambda t: (t, 0)),
            pl.BlockSpec((H, SI), lambda t: (0, 0)),
            pl.BlockSpec((H, SI), lambda t: (0, 0)),
            pl.BlockSpec((SI, H), lambda t: (0, 0)),
        ],
        out_specs=pl.BlockSpec((TBLK, H), lambda t: (t, 0)),
    )(xpk, Wg_s, Wu_s, Wd_s)


def _combine_body(sh_ref, y0_ref, y1_ref, w0_ref, w1_ref, out_ref):
    sh = sh_ref[...]
    w0 = w0_ref[...][:, 0:1]
    w1 = w1_ref[...][:, 0:1]
    y0a, y0b = _unpack(y0_ref[...])
    y1a, y1b = _unpack(y1_ref[...])
    out_ref[:, :H2] = sh[:, :H2] + w0 * y0a + w1 * y1a
    out_ref[:, H2:] = sh[:, H2:] + w0 * y0b + w1 * y1b


def _run_combine(sh, y0g, y1g, w0, w1):
    return pl.pallas_call(
        _combine_body,
        grid=(T // TBLK,),
        out_shape=jax.ShapeDtypeStruct((T, H), jnp.float32),
        in_specs=[
            pl.BlockSpec((TBLK, H), lambda t: (t, 0)),
            pl.BlockSpec((TBLK, H2), lambda t: (t, 0)),
            pl.BlockSpec((TBLK, H2), lambda t: (t, 0)),
            pl.BlockSpec((TBLK, 16), lambda t: (t, 0)),
            pl.BlockSpec((TBLK, 16), lambda t: (t, 0)),
        ],
        out_specs=pl.BlockSpec((TBLK, H), lambda t: (t, 0)),
    )(sh, y0g, y1g, w0, w1)


def kernel(hidden_states, W_gate, Wg_s, Wu_s, Wd_s, Wg, Wu, Wd, expert_bias):
    b, s, h = hidden_states.shape
    x = hidden_states.reshape(T, H)

    pos0, pos1, w0, w1, meta, xpk = _run_router(x, W_gate, expert_bias)
    meta1d = meta.reshape(MW)

    sh = _run_shared(xpk, Wg_s, Wu_s, Wd_s)
    xs = _run_dispatch(xpk, pos0, pos1)
    ys = _run_grouped(meta1d, xs, Wg, Wu, Wd)
    y0g, y1g = _run_gather(ys, pos0, pos1)
    out = _run_combine(sh, y0g, y1g, w0, w1)
    return out.reshape(b, s, h)

# --- scband reference (transcript-rebuilt; emitter-appended) ---
"""Pipeline reference for scband-afmoe-mo-e-71442486002159 (READ-ONLY COPY).

The authoritative reference and input builder live on the scoring server;
editing this copy changes nothing except your own understanding.
"""

import jax, jax.numpy as jnp
import numpy as np

B, S, HIDDEN = 1, 2048, 1024
E, K = 8, 2
INTER = 512
N_SHARED = 2
SHARED_INTER = INTER * N_SHARED
ROUTE_SCALE = 1.0


def setup_inputs(seed: int = 0) -> dict:
    key = jax.random.key(seed)
    ks = jax.random.split(key, 9)
    scale = 0.02
    return {
        "hidden_states": jax.random.normal(ks[0], (B, S, HIDDEN), dtype=jnp.float32),
        "W_gate": jax.random.normal(ks[1], (HIDDEN, E), dtype=jnp.float32) * scale,
        "Wg_s": jax.random.normal(ks[2], (HIDDEN, SHARED_INTER), dtype=jnp.float32) * scale,
        "Wu_s": jax.random.normal(ks[3], (HIDDEN, SHARED_INTER), dtype=jnp.float32) * scale,
        "Wd_s": jax.random.normal(ks[4], (SHARED_INTER, HIDDEN), dtype=jnp.float32) * scale,
        "Wg": jax.random.normal(ks[5], (E, HIDDEN, INTER), dtype=jnp.float32) * scale,
        "Wu": jax.random.normal(ks[6], (E, HIDDEN, INTER), dtype=jnp.float32) * scale,
        "Wd": jax.random.normal(ks[7], (E, INTER, HIDDEN), dtype=jnp.float32) * scale,
        "expert_bias": jnp.zeros((E,), dtype=jnp.float32),
    }


def reference(hidden_states, W_gate, Wg_s, Wu_s, Wd_s, Wg, Wu, Wd, expert_bias):
    b, s, h = hidden_states.shape
    x = hidden_states.reshape(-1, h)
    # --- Token-choice router (sigmoid scores, top-k over scores + expert_bias) ---
    scores = jax.nn.sigmoid((x @ W_gate).astype(jnp.float32))
    _, selected_experts = jax.lax.top_k(scores + expert_bias[None, :], K)
    top_scores = jnp.take_along_axis(scores, selected_experts, axis=1)
    denom = top_scores.sum(axis=-1, keepdims=True) + 1e-20
    top_scores = (top_scores / denom) * ROUTE_SCALE
    # --- Shared experts (always active) ---
    shared = (jax.nn.silu(x @ Wg_s) * (x @ Wu_s)) @ Wd_s
    # --- Routed experts ---
    # Original dispatches tokens per expert via argsort/index_select and scatter-adds
    # weighted outputs back. Mathematically: out[t] = sum_k w[t,k] * MLP_{sel[t,k]}(x[t]).
    # Equivalent dense form using per-token combine weights over experts:
    onehot = jax.nn.one_hot(selected_experts, E, dtype=jnp.float32)  # [T, K, E]
    combine = jnp.einsum('tk,tke->te', top_scores, onehot)            # [T, E]
    hg = jnp.einsum('th,ehi->tei', x, Wg)
    hu = jnp.einsum('th,ehi->tei', x, Wu)
    hmid = jax.nn.silu(hg) * hu
    out_e = jnp.einsum('tei,eih->teh', hmid, Wd)
    routed = jnp.einsum('teh,te->th', out_e, combine)
    return (shared + routed).reshape(b, s, h)

if __name__ == "__main__":
    import jax
    _d = setup_inputs()
    print(jax.jit(kernel)(*tuple(_d.values())))

</pallas_src>

<mosaic_0001>
#map = affine_map<(d0, d1) -> (0, 0)>
#map1 = affine_map<(d0, d1) -> (0)>
module attributes {stable_mosaic.version = 14 : i64} {
  func.func @_dispatch_body(%arg0: i32, %arg1: i32, %arg2: memref<2048x512xi32, #tpu.memory_space<hbm>>, %arg3: memref<2048xi32, #tpu.memory_space<hbm>>, %arg4: memref<2048xi32, #tpu.memory_space<hbm>>, %arg5: memref<8192x512xi32, #tpu.memory_space<hbm>>, %arg6: memref<64x512xi32, #tpu.memory_space<vmem>>, %arg7: memref<64xi32, #tpu.memory_space<vmem>>, %arg8: memref<64xi32, #tpu.memory_space<vmem>>, %arg9: memref<!tpu.dma_semaphore, #tpu.memory_space<semaphore_mem>>, %arg10: memref<!tpu.dma_semaphore, #tpu.memory_space<semaphore_mem>>, %arg11: memref<!tpu.dma_semaphore, #tpu.memory_space<semaphore_mem>>) attributes {dimension_semantics = [#tpu.dimension_semantics<core_parallel>, #tpu.dimension_semantics<subcore_parallel>], iteration_bounds = array<i64: 2, 16>, scalar_prefetch = 0 : i64, scratch_operands = 6 : i64, tpu.core_type = #tpu.core_type<sc_vector_subcore>, window_params = [{transform_indices = #map}, {transform_indices = #map1}, {transform_indices = #map1}, {transform_indices = #map}]} {
    %mul3A = arith.constant 2 : i32
    %mul3A_0 = arith.muli %arg1, %mul3A : i32
    %add3A = arith.addi %mul3A_0, %arg0 : i32
    %mul3A_1 = arith.constant 64 : i32
    %mul3A_2 = arith.muli %add3A, %mul3A_1 : i32
    %dma_start3A = arith.constant 0 : i32
    %dma_start3A_3 = tpu.memref_slice %arg2[%mul3A_2, %dma_start3A] : memref<2048x512xi32, #tpu.memory_space<hbm>> -> memref<64x512xi32, #tpu.memory_space<hbm>>
    %dma_start3A_4 = arith.constant 0 : i32
    %dma_start3A_5 = tpu.memref_slice %arg2[%mul3A_2, %dma_start3A_4] : memref<2048x512xi32, #tpu.memory_space<hbm>> -> memref<64x512xi32, #tpu.memory_space<hbm>>
    tpu.enqueue_dma source(%dma_start3A_5 : memref<64x512xi32, #tpu.memory_space<hbm>>) target(%arg6 : memref<64x512xi32, #tpu.memory_space<vmem>>) target_semaphore(%arg9 : memref<!tpu.dma_semaphore, #tpu.memory_space<semaphore_mem>>)
    %dma_start3A_6 = tpu.memref_slice %arg3[%mul3A_2] : memref<2048xi32, #tpu.memory_space<hbm>> -> memref<64xi32, #tpu.memory_space<hbm>>
    %dma_start3A_7 = tpu.memref_slice %arg3[%mul3A_2] : memref<2048xi32, #tpu.memory_space<hbm>> -> memref<64xi32, #tpu.memory_space<hbm>>
    tpu.enqueue_dma source(%dma_start3A_7 : memref<64xi32, #tpu.memory_space<hbm>>) target(%arg7 : memref<64xi32, #tpu.memory_space<vmem>>) target_semaphore(%arg10 : memref<!tpu.dma_semaphore, #tpu.memory_space<semaphore_mem>>)
    %dma_start3A_8 = tpu.memref_slice %arg4[%mul3A_2] : memref<2048xi32, #tpu.memory_space<hbm>> -> memref<64xi32, #tpu.memory_space<hbm>>
    %dma_start3A_9 = tpu.memref_slice %arg4[%mul3A_2] : memref<2048xi32, #tpu.memory_space<hbm>> -> memref<64xi32, #tpu.memory_space<hbm>>
    tpu.enqueue_dma source(%dma_start3A_9 : memref<64xi32, #tpu.memory_space<hbm>>) target(%arg8 : memref<64xi32, #tpu.memory_space<vmem>>) target_semaphore(%arg11 : memref<!tpu.dma_semaphore, #tpu.memory_space<semaphore_mem>>)
    %dma_wait3A = arith.constant 0 : i32
    %dma_wait3A_10 = tpu.memref_slice %arg2[%mul3A_2, %dma_wait3A] : memref<2048x512xi32, #tpu.memory_space<hbm>> -> memref<64x512xi32, #tpu.memory_space<hbm>>
    %dma_wait3A_11 = arith.constant 0 : i32
    %dma_wait3A_12 = tpu.memref_slice %arg2[%mul3A_2, %dma_wait3A_11] : memref<2048x512xi32, #tpu.memory_space<hbm>> -> memref<64x512xi32, #tpu.memory_space<hbm>>
    tpu.wait_dma2 semaphore(%arg9 : memref<!tpu.dma_semaphore, #tpu.memory_space<semaphore_mem>>) src(%dma_wait3A_12 : memref<64x512xi32, #tpu.memory_space<hbm>>) dst(%arg6 : memref<64x512xi32, #tpu.memory_space<vmem>>)
    %dma_wait3A_13 = tpu.memref_slice %arg3[%mul3A_2] : memref<2048xi32, #tpu.memory_space<hbm>> -> memref<64xi32, #tpu.memory_space<hbm>>
    %dma_wait3A_14 = tpu.memref_slice %arg3[%mul3A_2] : memref<2048xi32, #tpu.memory_space<hbm>> -> memref<64xi32, #tpu.memory_space<hbm>>
    tpu.wait_dma2 semaphore(%arg10 : memref<!tpu.dma_semaphore, #tpu.memory_space<semaphore_mem>>) src(%dma_wait3A_14 : memref<64xi32, #tpu.memory_space<hbm>>) dst(%arg7 : memref<64xi32, #tpu.memory_space<vmem>>)
    %dma_wait3A_15 = tpu.memref_slice %arg4[%mul3A_2] : memref<2048xi32, #tpu.memory_space<hbm>> -> memref<64xi32, #tpu.memory_space<hbm>>
    %dma_wait3A_16 = tpu.memref_slice %arg4[%mul3A_2] : memref<2048xi32, #tpu.memory_space<hbm>> -> memref<64xi32, #tpu.memory_space<hbm>>
    tpu.wait_dma2 semaphore(%arg11 : memref<!tpu.dma_semaphore, #tpu.memory_space<semaphore_mem>>) src(%dma_wait3A_16 : memref<64xi32, #tpu.memory_space<hbm>>) dst(%arg8 : memref<64xi32, #tpu.memory_space<vmem>>)
    %dma_start3A_17 = arith.constant 0 : i32
    %dma_start3A_18 = arith.constant 0 : i32
    %dma_start3A_19 = tpu.memref_slice %arg5[%dma_start3A_17, %dma_start3A_18] : memref<8192x512xi32, #tpu.memory_space<hbm>> -> memref<8192x512xi32, #tpu.memory_space<hbm>>
    tpu.enqueue_indirect_dma source(%arg6 : memref<64x512xi32, #tpu.memory_space<vmem>>) target(%dma_start3A_19 : memref<8192x512xi32, #tpu.memory_space<hbm>>) offsets(%arg7 : memref<64xi32, #tpu.memory_space<vmem>>) semaphore(%arg9 : memref<!tpu.dma_semaphore, #tpu.memory_space<semaphore_mem>>)
    %dma_start3A_20 = arith.constant 0 : i32
    %dma_start3A_21 = arith.constant 0 : i32
    %dma_start3A_22 = tpu.memref_slice %arg5[%dma_start3A_20, %dma_start3A_21] : memref<8192x512xi32, #tpu.memory_space<hbm>> -> memref<8192x512xi32, #tpu.memory_space<hbm>>
    tpu.enqueue_indirect_dma source(%arg6 : memref<64x512xi32, #tpu.memory_space<vmem>>) target(%dma_start3A_22 : memref<8192x512xi32, #tpu.memory_space<hbm>>) offsets(%arg8 : memref<64xi32, #tpu.memory_space<vmem>>) semaphore(%arg10 : memref<!tpu.dma_semaphore, #tpu.memory_space<semaphore_mem>>)
    %dma_wait3A_23 = arith.constant 0 : i32
    %dma_wait3A_24 = arith.constant 0 : i32
    %dma_wait3A_25 = tpu.memref_slice %arg5[%dma_wait3A_23, %dma_wait3A_24] : memref<8192x512xi32, #tpu.memory_space<hbm>> -> memref<8192x512xi32, #tpu.memory_space<hbm>>
    tpu.wait_indirect_dma semaphore(%arg9 : memref<!tpu.dma_semaphore, #tpu.memory_space<semaphore_mem>>) src(%arg6 : memref<64x512xi32, #tpu.memory_space<vmem>>) dst(%dma_wait3A_25 : memref<8192x512xi32, #tpu.memory_space<hbm>>)
    %dma_wait3A_26 = arith.constant 0 : i32
    %dma_wait3A_27 = arith.constant 0 : i32
    %dma_wait3A_28 = tpu.memref_slice %arg5[%dma_wait3A_26, %dma_wait3A_27] : memref<8192x512xi32, #tpu.memory_space<hbm>> -> memref<8192x512xi32, #tpu.memory_space<hbm>>
    tpu.wait_indirect_dma semaphore(%arg10 : memref<!tpu.dma_semaphore, #tpu.memory_space<semaphore_mem>>) src(%arg6 : memref<64x512xi32, #tpu.memory_space<vmem>>) dst(%dma_wait3A_28 : memref<8192x512xi32, #tpu.memory_space<hbm>>)
    return
  }
}

#map = affine_map<(d0, d1) -> (0, 0)>
#map1 = affine_map<(d0, d1) -> (0)>
module attributes {stable_mosaic.version = 14 : i64} {
  func.func @_gather_body(%arg0: i32, %arg1: i32, %arg2: memref<8192x512xi32, #tpu.memory_space<hbm>>, %arg3: memref<2048xi32, #tpu.memory_space<hbm>>, %arg4: memref<2048xi32, #tpu.memory_space<hbm>>, %arg5: memref<2048x512xi32, #tpu.memory_space<hbm>>, %arg6: memref<2048x512xi32, #tpu.memory_space<hbm>>, %arg7: memref<64x512xi32, #tpu.memory_space<vmem>>, %arg8: memref<64x512xi32, #tpu.memory_space<vmem>>, %arg9: memref<64xi32, #tpu.memory_space<vmem>>, %arg10: memref<64xi32, #tpu.memory_space<vmem>>, %arg11: memref<!tpu.dma_semaphore, #tpu.memory_space<semaphore_mem>>, %arg12: memref<!tpu.dma_semaphore, #tpu.memory_space<semaphore_mem>>) attributes {dimension_semantics = [#tpu.dimension_semantics<core_parallel>, #tpu.dimension_semantics<subcore_parallel>], iteration_bounds = array<i64: 2, 16>, scalar_prefetch = 0 : i64, scratch_operands = 6 : i64, tpu.core_type = #tpu.core_type<sc_vector_subcore>, window_params = [{transform_indices = #map}, {transform_indices = #map1}, {transform_indices = #map1}, {transform_indices = #map}, {transform_indices = #map}]} {
    %mul3A = arith.constant 2 : i32
    %mul3A_0 = arith.muli %arg1, %mul3A : i32
    %add3A = arith.addi %mul3A_0, %arg0 : i32
    %mul3A_1 = arith.constant 64 : i32
    %mul3A_2 = arith.muli %add3A, %mul3A_1 : i32
    %dma_start3A = tpu.memref_slice %arg3[%mul3A_2] : memref<2048xi32, #tpu.memory_space<hbm>> -> memref<64xi32, #tpu.memory_space<hbm>>
    %dma_start3A_3 = tpu.memref_slice %arg3[%mul3A_2] : memref<2048xi32, #tpu.memory_space<hbm>> -> memref<64xi32, #tpu.memory_space<hbm>>
    tpu.enqueue_dma source(%dma_start3A_3 : memref<64xi32, #tpu.memory_space<hbm>>) target(%arg9 : memref<64xi32, #tpu.memory_space<vmem>>) target_semaphore(%arg11 : memref<!tpu.dma_semaphore, #tpu.memory_space<semaphore_mem>>)
    %dma_start3A_4 = tpu.memref_slice %arg4[%mul3A_2] : memref<2048xi32, #tpu.memory_space<hbm>> -> memref<64xi32, #tpu.memory_space<hbm>>
    %dma_start3A_5 = tpu.memref_slice %arg4[%mul3A_2] : memref<2048xi32, #tpu.memory_space<hbm>> -> memref<64xi32, #tpu.memory_space<hbm>>
    tpu.enqueue_dma source(%dma_start3A_5 : memref<64xi32, #tpu.memory_space<hbm>>) target(%arg10 : memref<64xi32, #tpu.memory_space<vmem>>) target_semaphore(%arg12 : memref<!tpu.dma_semaphore, #tpu.memory_space<semaphore_mem>>)
    %dma_wait3A = tpu.memref_slice %arg3[%mul3A_2] : memref<2048xi32, #tpu.memory_space<hbm>> -> memref<64xi32, #tpu.memory_space<hbm>>
    %dma_wait3A_6 = tpu.memref_slice %arg3[%mul3A_2] : memref<2048xi32, #tpu.memory_space<hbm>> -> memref<64xi32, #tpu.memory_space<hbm>>
    tpu.wait_dma2 semaphore(%arg11 : memref<!tpu.dma_semaphore, #tpu.memory_space<semaphore_mem>>) src(%dma_wait3A_6 : memref<64xi32, #tpu.memory_space<hbm>>) dst(%arg9 : memref<64xi32, #tpu.memory_space<vmem>>)
    %dma_wait3A_7 = tpu.memref_slice %arg4[%mul3A_2] : memref<2048xi32, #tpu.memory_space<hbm>> -> memref<64xi32, #tpu.memory_space<hbm>>
    %dma_wait3A_8 = tpu.memref_slice %arg4[%mul3A_2] : memref<2048xi32, #tpu.memory_space<hbm>> -> memref<64xi32, #tpu.memory_space<hbm>>
    tpu.wait_dma2 semaphore(%arg12 : memref<!tpu.dma_semaphore, #tpu.memory_space<semaphore_mem>>) src(%dma_wait3A_8 : memref<64xi32, #tpu.memory_space<hbm>>) dst(%arg10 : memref<64xi32, #tpu.memory_space<vmem>>)
    %dma_start3A_9 = arith.constant 0 : i32
    %dma_start3A_10 = arith.constant 0 : i32
    %dma_start3A_11 = tpu.memref_slice %arg2[%dma_start3A_9, %dma_start3A_10] : memref<8192x512xi32, #tpu.memory_space<hbm>> -> memref<8192x512xi32, #tpu.memory_space<hbm>>
    tpu.enqueue_indirect_dma source(%dma_start3A_11 : memref<8192x512xi32, #tpu.memory_space<hbm>>) target(%arg7 : memref<64x512xi32, #tpu.memory_space<vmem>>) offsets(%arg9 : memref<64xi32, #tpu.memory_space<vmem>>) semaphore(%arg11 : memref<!tpu.dma_semaphore, #tpu.memory_space<semaphore_mem>>)
    %dma_start3A_12 = arith.constant 0 : i32
    %dma_start3A_13 = arith.constant 0 : i32
    %dma_start3A_14 = tpu.memref_slice %arg2[%dma_start3A_12, %dma_start3A_13] : memref<8192x512xi32, #tpu.memory_space<hbm>> -> memref<8192x512xi32, #tpu.memory_space<hbm>>
    tpu.enqueue_indirect_dma source(%dma_start3A_14 : memref<8192x512xi32, #tpu.memory_space<hbm>>) target(%arg8 : memref<64x512xi32, #tpu.memory_space<vmem>>) offsets(%arg10 : memref<64xi32, #tpu.memory_space<vmem>>) semaphore(%arg12 : memref<!tpu.dma_semaphore, #tpu.memory_space<semaphore_mem>>)
    %dma_wait3A_15 = arith.constant 0 : i32
    %dma_wait3A_16 = arith.constant 0 : i32
    %dma_wait3A_17 = tpu.memref_slice %arg2[%dma_wait3A_15, %dma_wait3A_16] : memref<8192x512xi32, #tpu.memory_space<hbm>> -> memref<8192x512xi32, #tpu.memory_space<hbm>>
    tpu.wait_indirect_dma semaphore(%arg11 : memref<!tpu.dma_semaphore, #tpu.memory_space<semaphore_mem>>) src(%dma_wait3A_17 : memref<8192x512xi32, #tpu.memory_space<hbm>>) dst(%arg7 : memref<64x512xi32, #tpu.memory_space<vmem>>)
    %dma_start3A_18 = arith.constant 0 : i32
    %dma_start3A_19 = tpu.memref_slice %arg5[%mul3A_2, %dma_start3A_18] : memref<2048x512xi32, #tpu.memory_space<hbm>> -> memref<64x512xi32, #tpu.memory_space<hbm>>
    %dma_start3A_20 = arith.constant 0 : i32
    %dma_start3A_21 = tpu.memref_slice %arg5[%mul3A_2, %dma_start3A_20] : memref<2048x512xi32, #tpu.memory_space<hbm>> -> memref<64x512xi32, #tpu.memory_space<hbm>>
    tpu.enqueue_dma source(%arg7 : memref<64x512xi32, #tpu.memory_space<vmem>>) target(%dma_start3A_21 : memref<64x512xi32, #tpu.memory_space<hbm>>) target_semaphore(%arg11 : memref<!tpu.dma_semaphore, #tpu.memory_space<semaphore_mem>>)
    %dma_wait3A_22 = arith.constant 0 : i32
    %dma_wait3A_23 = arith.constant 0 : i32
    %dma_wait3A_24 = tpu.memref_slice %arg2[%dma_wait3A_22, %dma_wait3A_23] : memref<8192x512xi32, #tpu.memory_space<hbm>> -> memref<8192x512xi32, #tpu.memory_space<hbm>>
    tpu.wait_indirect_dma semaphore(%arg12 : memref<!tpu.dma_semaphore, #tpu.memory_space<semaphore_mem>>) src(%dma_wait3A_24 : memref<8192x512xi32, #tpu.memory_space<hbm>>) dst(%arg8 : memref<64x512xi32, #tpu.memory_space<vmem>>)
    %dma_start3A_25 = arith.constant 0 : i32
    %dma_start3A_26 = tpu.memref_slice %arg6[%mul3A_2, %dma_start3A_25] : memref<2048x512xi32, #tpu.memory_space<hbm>> -> memref<64x512xi32, #tpu.memory_space<hbm>>
    %dma_start3A_27 = arith.constant 0 : i32
    %dma_start3A_28 = tpu.memref_slice %arg6[%mul3A_2, %dma_start3A_27] : memref<2048x512xi32, #tpu.memory_space<hbm>> -> memref<64x512xi32, #tpu.memory_space<hbm>>
    tpu.enqueue_dma source(%arg8 : memref<64x512xi32, #tpu.memory_space<vmem>>) target(%dma_start3A_28 : memref<64x512xi32, #tpu.memory_space<hbm>>) target_semaphore(%arg12 : memref<!tpu.dma_semaphore, #tpu.memory_space<semaphore_mem>>)
    %dma_wait3A_29 = arith.constant 0 : i32
    %dma_wait3A_30 = tpu.memref_slice %arg5[%mul3A_2, %dma_wait3A_29] : memref<2048x512xi32, #tpu.memory_space<hbm>> -> memref<64x512xi32, #tpu.memory_space<hbm>>
    %dma_wait3A_31 = arith.constant 0 : i32
    %dma_wait3A_32 = tpu.memref_slice %arg5[%mul3A_2, %dma_wait3A_31] : memref<2048x512xi32, #tpu.memory_space<hbm>> -> memref<64x512xi32, #tpu.memory_space<hbm>>
    tpu.wait_dma2 semaphore(%arg11 : memref<!tpu.dma_semaphore, #tpu.memory_space<semaphore_mem>>) src(%arg7 : memref<64x512xi32, #tpu.memory_space<vmem>>) dst(%dma_wait3A_32 : memref<64x512xi32, #tpu.memory_space<hbm>>)
    %dma_wait3A_33 = arith.constant 0 : i32
    %dma_wait3A_34 = tpu.memref_slice %arg6[%mul3A_2, %dma_wait3A_33] : memref<2048x512xi32, #tpu.memory_space<hbm>> -> memref<64x512xi32, #tpu.memory_space<hbm>>
    %dma_wait3A_35 = arith.constant 0 : i32
    %dma_wait3A_36 = tpu.memref_slice %arg6[%mul3A_2, %dma_wait3A_35] : memref<2048x512xi32, #tpu.memory_space<hbm>> -> memref<64x512xi32, #tpu.memory_space<hbm>>
    tpu.wait_dma2 semaphore(%arg12 : memref<!tpu.dma_semaphore, #tpu.memory_space<semaphore_mem>>) src(%arg8 : memref<64x512xi32, #tpu.memory_space<vmem>>) dst(%dma_wait3A_36 : memref<64x512xi32, #tpu.memory_space<hbm>>)
    return
  }
}

module attributes {stable_mosaic.version = 14 : i64} {
  func.func @_grouped_body(%arg0: i32, %arg1: memref<17xi32, #tpu.memory_space<smem>>, %arg2: memref<512x512xi32, #tpu.memory_space<vmem>>, %arg3: memref<1x1024x512xf32, #tpu.memory_space<vmem>>, %arg4: memref<1x1024x512xf32, #tpu.memory_space<vmem>>, %arg5: memref<1x512x1024xf32, #tpu.memory_space<vmem>>, %arg6: memref<512x512xi32, #tpu.memory_space<vmem>>) attributes {dimension_semantics = [#tpu.dimension_semantics<arbitrary>], iteration_bounds = array<i64: 16>, scalar_prefetch = 1 : i64, scratch_operands = 0 : i64, tpu.core_type = #tpu.core_type<tc>, window_params = [{transform_indices = @transform_0, window_bounds = array<i64: 512, 512>}, {transform_indices = @transform_1, window_bounds = array<i64: 1, 1024, 512>}, {transform_indices = @transform_2, window_bounds = array<i64: 1, 1024, 512>}, {transform_indices = @transform_3, window_bounds = array<i64: 1, 512, 1024>}, {transform_indices = @transform_4, window_bounds = array<i64: 512, 512>}]} {
    %get3A = arith.constant 0 : index
    %get3A_0 = memref.load %arg1[%get3A] : memref<17xi32, #tpu.memory_space<smem>>
    %lt3A = arith.cmpi slt, %arg0, %get3A_0 : i32
    %convert_element_type3A = arith.extui %lt3A : i1 to i32
    %cond3A = arith.constant 0 : i32
    %cond3A_1 = arith.cmpi ne, %convert_element_type3A, %cond3A : i32
    scf.if %cond3A_1 {
      %get3A_2 = arith.constant 0 : index
      %get3A_3 = arith.constant 0 : index
      %get3A_4 = vector.load %arg2[%get3A_2, %get3A_3] : memref<512x512xi32, #tpu.memory_space<vmem>>, vector<512x512xi32>
      %broadcast_in_dim3A = arith.constant -65536 : i32
      %broadcast_in_dim3A_5 = vector.broadcast %broadcast_in_dim3A : i32 to vector<512x512xi32>
      %bitcast3A = tpu.bitcast %get3A_4 : vector<512x512xi32> -> vector<512x512xi32>
      %shift_left3A = arith.constant 16 : i32
      %shift_left3A_6 = vector.broadcast %shift_left3A : i32 to vector<512x512xi32>
      %shift_left3A_7 = arith.shli %bitcast3A, %shift_left3A_6 : vector<512x512xi32>
      %bitcast3A_8 = tpu.bitcast %shift_left3A_7 : vector<512x512xi32> -> vector<512x512xf32>
      %and3A = arith.andi %bitcast3A, %broadcast_in_dim3A_5 : vector<512x512xi32>
      %bitcast3A_9 = tpu.bitcast %and3A : vector<512x512xi32> -> vector<512x512xf32>
      %get3A_10 = arith.constant 0 : index
      %get3A_11 = arith.constant 0 : index
      %get3A_12 = arith.constant 0 : index
      %get3A_13 = vector.load %arg3[%get3A_10, %get3A_11, %get3A_12] : memref<1x1024x512xf32, #tpu.memory_space<vmem>>, vector<1x512x512xf32>
      %get3A_14 = vector.shape_cast %get3A_13 : vector<1x512x512xf32> to vector<512x512xf32>
      %dot_general3A = arith.constant dense<0.000000e+00> : vector<512x512xf32>
      %dot_general3A_15 = tpu.matmul %bitcast3A_8, %get3A_14, %dot_general3A {dimension_numbers = #tpu.dot_dimension_numbers<[1], [0], [0], [1], [0, 0, 1, 1], [], []>, transpose_lhs_hint = false} : vector<512x512xf32>, vector<512x512xf32>, vector<512x512xf32> -> vector<512x512xf32>
      %get3A_16 = arith.constant 0 : index
      %get3A_17 = arith.constant 512 : index
      %get3A_18 = arith.constant 0 : index
      %get3A_19 = vector.load %arg3[%get3A_16, %get3A_17, %get3A_18] : memref<1x1024x512xf32, #tpu.memory_space<vmem>>, vector<1x512x512xf32>
      %get3A_20 = vector.shape_cast %get3A_19 : vector<1x512x512xf32> to vector<512x512xf32>
      %dot_general3A_21 = arith.constant dense<0.000000e+00> : vector<512x512xf32>
      %dot_general3A_22 = tpu.matmul %bitcast3A_9, %get3A_20, %dot_general3A_21 {dimension_numbers = #tpu.dot_dimension_numbers<[1], [0], [0], [1], [0, 0, 1, 1], [], []>, transpose_lhs_hint = false} : vector<512x512xf32>, vector<512x512xf32>, vector<512x512xf32> -> vector<512x512xf32>
      %add3A = arith.addf %dot_general3A_15, %dot_general3A_22 : vector<512x512xf32>
      %get3A_23 = arith.constant 0 : index
      %get3A_24 = arith.constant 0 : index
      %get3A_25 = arith.constant 0 : index
      %get3A_26 = vector.load %arg4[%get3A_23, %get3A_24, %get3A_25] : memref<1x1024x512xf32, #tpu.memory_space<vmem>>, vector<1x512x512xf32>
      %get3A_27 = vector.shape_cast %get3A_26 : vector<1x512x512xf32> to vector<512x512xf32>
      %dot_general3A_28 = arith.constant dense<0.000000e+00> : vector<512x512xf32>
      %dot_general3A_29 = tpu.matmul %bitcast3A_8, %get3A_27, %dot_general3A_28 {dimension_numbers = #tpu.dot_dimension_numbers<[1], [0], [0], [1], [0, 0, 1, 1], [], []>, transpose_lhs_hint = false} : vector<512x512xf32>, vector<512x512xf32>, vector<512x512xf32> -> vector<512x512xf32>
      %get3A_30 = arith.constant 0 : index
      %get3A_31 = arith.constant 512 : index
      %get3A_32 = arith.constant 0 : index
      %get3A_33 = vector.load %arg4[%get3A_30, %get3A_31, %get3A_32] : memref<1x1024x512xf32, #tpu.memory_space<vmem>>, vector<1x512x512xf32>
      %get3A_34 = vector.shape_cast %get3A_33 : vector<1x512x512xf32> to vector<512x512xf32>
      %dot_general3A_35 = arith.constant dense<0.000000e+00> : vector<512x512xf32>
      %dot_general3A_36 = tpu.matmul %bitcast3A_9, %get3A_34, %dot_general3A_35 {dimension_numbers = #tpu.dot_dimension_numbers<[1], [0], [0], [1], [0, 0, 1, 1], [], []>, transpose_lhs_hint = false} : vector<512x512xf32>, vector<512x512xf32>, vector<512x512xf32> -> vector<512x512xf32>
      %add3A_37 = arith.addf %dot_general3A_29, %dot_general3A_36 : vector<512x512xf32>
      %logistic3A = arith.negf %add3A : vector<512x512xf32>
      %logistic3A_38 = math.exp %logistic3A : vector<512x512xf32>
      %logistic3A_39 = arith.constant 1.000000e+00 : f32
      %logistic3A_40 = vector.broadcast %logistic3A_39 : f32 to vector<512x512xf32>
      %logistic3A_41 = arith.addf %logistic3A_40, %logistic3A_38 : vector<512x512xf32>
      %logistic3A_42 = arith.divf %logistic3A_40, %logistic3A_41 : vector<512x512xf32>
      %mul3A = arith.mulf %add3A, %logistic3A_42 : vector<512x512xf32>
      %mul3A_43 = arith.mulf %mul3A, %add3A_37 : vector<512x512xf32>
      %get3A_44 = arith.constant 0 : index
      %get3A_45 = arith.constant 0 : index
      %get3A_46 = arith.constant 0 : index
      %get3A_47 = vector.load %arg5[%get3A_44, %get3A_45, %get3A_46] : memref<1x512x1024xf32, #tpu.memory_space<vmem>>, vector<1x512x1024xf32>
      %get3A_48 = vector.shape_cast %get3A_47 : vector<1x512x1024xf32> to vector<512x1024xf32>
      %dot_general3A_49 = arith.constant dense<0.000000e+00> : vector<512x1024xf32>
      %dot_general3A_50 = tpu.matmul %mul3A_43, %get3A_48, %dot_general3A_49 {dimension_numbers = #tpu.dot_dimension_numbers<[1], [0], [0], [1], [0, 0, 1, 1], [], []>, transpose_lhs_hint = false} : vector<512x512xf32>, vector<512x1024xf32>, vector<512x1024xf32> -> vector<512x1024xf32>
      %slice3A = vector.extract_strided_slice %dot_general3A_50 {offsets = [0, 0], sizes = [512, 512], strides = [1, 1]} : vector<512x1024xf32> to vector<512x512xf32>
      %slice3A_51 = vector.extract_strided_slice %dot_general3A_50 {offsets = [0, 512], sizes = [512, 512], strides = [1, 1]} : vector<512x1024xf32> to vector<512x512xf32>
      %broadcast_in_dim3A_52 = arith.constant -65536 : i32
      %broadcast_in_dim3A_53 = vector.broadcast %broadcast_in_dim3A_52 : i32 to vector<512x512xi32>
      %convert_element_type3A_54 = arith.truncf %slice3A : vector<512x512xf32> to vector<512x512xbf16>
      %convert_element_type3A_55 = arith.extf %convert_element_type3A_54 : vector<512x512xbf16> to vector<512x512xf32>
      %bitcast3A_56 = tpu.bitcast %convert_element_type3A_55 : vector<512x512xf32> -> vector<512x512xi32>
      %shift_right_logical3A = arith.constant 16 : i32
      %shift_right_logical3A_57 = vector.broadcast %shift_right_logical3A : i32 to vector<512x512xi32>
      %shift_right_logical3A_58 = arith.shrui %bitcast3A_56, %shift_right_logical3A_57 : vector<512x512xi32>
      %convert_element_type3A_59 = arith.truncf %slice3A_51 : vector<512x512xf32> to vector<512x512xbf16>
      %convert_element_type3A_60 = arith.extf %convert_element_type3A_59 : vector<512x512xbf16> to vector<512x512xf32>
      %bitcast3A_61 = tpu.bitcast %convert_element_type3A_60 : vector<512x512xf32> -> vector<512x512xi32>
      %and3A_62 = arith.andi %bitcast3A_61, %broadcast_in_dim3A_53 : vector<512x512xi32>
      %or3A = arith.ori %shift_right_logical3A_58, %and3A_62 : vector<512x512xi32>
      %bitcast3A_63 = tpu.bitcast %or3A : vector<512x512xi32> -> vector<512x512xi32>
      %swap3A = arith.constant 0 : index
      %swap3A_64 = arith.constant 0 : index
      %swap3A_65 = vector.load %arg6[%swap3A, %swap3A_64] : memref<512x512xi32, #tpu.memory_space<vmem>>, vector<512x512xi32>
      tpu.vector_store %arg6[%swap3A, %swap3A_64], %bitcast3A_63 {strides = array<i32>} : memref<512x512xi32, #tpu.memory_space<vmem>>, vector<512x512xi32>,
    } else {
    }
    return
  }
  func.func @transform_0(%arg0: i32, %arg1: memref<17xi32, #tpu.memory_space<smem>>) -> (i32, i32) {
    %get3A = arith.constant 0 : index
    %get3A_0 = memref.load %arg1[%get3A] : memref<17xi32, #tpu.memory_space<smem>>
    %lt3A = arith.cmpi slt, %arg0, %get3A_0 : i32
    %get3A_1 = arith.constant 0 : index
    %get3A_2 = memref.load %arg1[%get3A_1] : memref<17xi32, #tpu.memory_space<smem>>
    %sub3A = arith.constant 1 : i32
    %sub3A_3 = arith.subi %get3A_2, %sub3A : i32
    %select_n3A = arith.select %lt3A, %arg0, %sub3A_3 : i32
    %c0_i32 = arith.constant 0 : i32
    %c0_i32_4 = arith.constant 0 : i32
    return %select_n3A, %c0_i32 : i32, i32
  }
  func.func @transform_1(%arg0: i32, %arg1: memref<17xi32, #tpu.memory_space<smem>>) -> (i32, i32, i32) {
    %add3A = arith.constant 1 : i32
    %add3A_0 = arith.addi %arg0, %add3A : i32
    %get3A = arith.index_cast %add3A_0 : i32 to index
    %get3A_1 = memref.load %arg1[%get3A] : memref<17xi32, #tpu.memory_space<smem>>
    %c0_i32 = arith.constant 0 : i32
    %c0_i32_2 = arith.constant 0 : i32
    %c0_i32_3 = arith.constant 0 : i32
    return %get3A_1, %c0_i32, %c0_i32_2 : i32, i32, i32
  }
  func.func @transform_2(%arg0: i32, %arg1: memref<17xi32, #tpu.memory_space<smem>>) -> (i32, i32, i32) {
    %add3A = arith.constant 1 : i32
    %add3A_0 = arith.addi %arg0, %add3A : i32
    %get3A = arith.index_cast %add3A_0 : i32 to index
    %get3A_1 = memref.load %arg1[%get3A] : memref<17xi32, #tpu.memory_space<smem>>
    %c0_i32 = arith.constant 0 : i32
    %c0_i32_2 = arith.constant 0 : i32
    %c0_i32_3 = arith.constant 0 : i32
    return %get3A_1, %c0_i32, %c0_i32_2 : i32, i32, i32
  }
  func.func @transform_3(%arg0: i32, %arg1: memref<17xi32, #tpu.memory_space<smem>>) -> (i32, i32, i32) {
    %add3A = arith.constant 1 : i32
    %add3A_0 = arith.addi %arg0, %add3A : i32
    %get3A = arith.index_cast %add3A_0 : i32 to index
    %get3A_1 = memref.load %arg1[%get3A] : memref<17xi32, #tpu.memory_space<smem>>
    %c0_i32 = arith.constant 0 : i32
    %c0_i32_2 = arith.constant 0 : i32
    %c0_i32_3 = arith.constant 0 : i32
    return %get3A_1, %c0_i32, %c0_i32_2 : i32, i32, i32
  }
  func.func @transform_4(%arg0: i32, %arg1: memref<17xi32, #tpu.memory_space<smem>>) -> (i32, i32) {
    %get3A = arith.constant 0 : index
    %get3A_0 = memref.load %arg1[%get3A] : memref<17xi32, #tpu.memory_space<smem>>
    %lt3A = arith.cmpi slt, %arg0, %get3A_0 : i32
    %get3A_1 = arith.constant 0 : index
    %get3A_2 = memref.load %arg1[%get3A_1] : memref<17xi32, #tpu.memory_space<smem>>
    %sub3A = arith.constant 1 : i32
    %sub3A_3 = arith.subi %get3A_2, %sub3A : i32
    %select_n3A = arith.select %lt3A, %arg0, %sub3A_3 : i32
    %c0_i32 = arith.constant 0 : i32
    %c0_i32_4 = arith.constant 0 : i32
    return %select_n3A, %c0_i32 : i32, i32
  }
}

module attributes {stable_mosaic.version = 14 : i64} {
  func.func @_shared_body(%arg0: i32, %arg1: memref<512x512xi32, #tpu.memory_space<vmem>>, %arg2: memref<1024x1024xf32, #tpu.memory_space<vmem>>, %arg3: memref<1024x1024xf32, #tpu.memory_space<vmem>>, %arg4: memref<1024x1024xf32, #tpu.memory_space<vmem>>, %arg5: memref<512x1024xf32, #tpu.memory_space<vmem>>) attributes {dimension_semantics = [#tpu.dimension_semantics<arbitrary>], iteration_bounds = array<i64: 4>, scalar_prefetch = 0 : i64, scratch_operands = 0 : i64, tpu.core_type = #tpu.core_type<tc>, window_params = [{transform_indices = @transform_0, window_bounds = array<i64: 512, 512>}, {pipeline_mode = #tpu.pipeline_mode<synchronous>, transform_indices = @transform_1, window_bounds = array<i64: 1024, 1024>}, {pipeline_mode = #tpu.pipeline_mode<synchronous>, transform_indices = @transform_2, window_bounds = array<i64: 1024, 1024>}, {pipeline_mode = #tpu.pipeline_mode<synchronous>, transform_indices = @transform_3, window_bounds = array<i64: 1024, 1024>}, {transform_indices = @transform_4, window_bounds = array<i64: 512, 1024>}]} {
    %get3A = arith.constant 0 : index
    %get3A_0 = arith.constant 0 : index
    %get3A_1 = vector.load %arg1[%get3A, %get3A_0] : memref<512x512xi32, #tpu.memory_space<vmem>>, vector<512x512xi32>
    %broadcast_in_dim3A = arith.constant -65536 : i32
    %broadcast_in_dim3A_2 = vector.broadcast %broadcast_in_dim3A : i32 to vector<512x512xi32>
    %bitcast3A = tpu.bitcast %get3A_1 : vector<512x512xi32> -> vector<512x512xi32>
    %shift_left3A = arith.constant 16 : i32
    %shift_left3A_3 = vector.broadcast %shift_left3A : i32 to vector<512x512xi32>
    %shift_left3A_4 = arith.shli %bitcast3A, %shift_left3A_3 : vector<512x512xi32>
    %bitcast3A_5 = tpu.bitcast %shift_left3A_4 : vector<512x512xi32> -> vector<512x512xf32>
    %and3A = arith.andi %bitcast3A, %broadcast_in_dim3A_2 : vector<512x512xi32>
    %bitcast3A_6 = tpu.bitcast %and3A : vector<512x512xi32> -> vector<512x512xf32>
    %get3A_7 = arith.constant 0 : index
    %get3A_8 = arith.constant 0 : index
    %get3A_9 = vector.load %arg2[%get3A_7, %get3A_8] : memref<1024x1024xf32, #tpu.memory_space<vmem>>, vector<512x1024xf32>
    %dot_general3A = arith.constant dense<0.000000e+00> : vector<512x1024xf32>
    %dot_general3A_10 = tpu.matmul %bitcast3A_5, %get3A_9, %dot_general3A {dimension_numbers = #tpu.dot_dimension_numbers<[1], [0], [0], [1], [0, 0, 1, 1], [], []>, transpose_lhs_hint = false} : vector<512x512xf32>, vector<512x1024xf32>, vector<512x1024xf32> -> vector<512x1024xf32>
    %get3A_11 = arith.constant 512 : index
    %get3A_12 = arith.constant 0 : index
    %get3A_13 = vector.load %arg2[%get3A_11, %get3A_12] : memref<1024x1024xf32, #tpu.memory_space<vmem>>, vector<512x1024xf32>
    %dot_general3A_14 = arith.constant dense<0.000000e+00> : vector<512x1024xf32>
    %dot_general3A_15 = tpu.matmul %bitcast3A_6, %get3A_13, %dot_general3A_14 {dimension_numbers = #tpu.dot_dimension_numbers<[1], [0], [0], [1], [0, 0, 1, 1], [], []>, transpose_lhs_hint = false} : vector<512x512xf32>, vector<512x1024xf32>, vector<512x1024xf32> -> vector<512x1024xf32>
    %add3A = arith.addf %dot_general3A_10, %dot_general3A_15 : vector<512x1024xf32>
    %get3A_16 = arith.constant 0 : index
    %get3A_17 = arith.constant 0 : index
    %get3A_18 = vector.load %arg3[%get3A_16, %get3A_17] : memref<1024x1024xf32, #tpu.memory_space<vmem>>, vector<512x1024xf32>
    %dot_general3A_19 = arith.constant dense<0.000000e+00> : vector<512x1024xf32>
    %dot_general3A_20 = tpu.matmul %bitcast3A_5, %get3A_18, %dot_general3A_19 {dimension_numbers = #tpu.dot_dimension_numbers<[1], [0], [0], [1], [0, 0, 1, 1], [], []>, transpose_lhs_hint = false} : vector<512x512xf32>, vector<512x1024xf32>, vector<512x1024xf32> -> vector<512x1024xf32>
    %get3A_21 = arith.constant 512 : index
    %get3A_22 = arith.constant 0 : index
    %get3A_23 = vector.load %arg3[%get3A_21, %get3A_22] : memref<1024x1024xf32, #tpu.memory_space<vmem>>, vector<512x1024xf32>
    %dot_general3A_24 = arith.constant dense<0.000000e+00> : vector<512x1024xf32>
    %dot_general3A_25 = tpu.matmul %bitcast3A_6, %get3A_23, %dot_general3A_24 {dimension_numbers = #tpu.dot_dimension_numbers<[1], [0], [0], [1], [0, 0, 1, 1], [], []>, transpose_lhs_hint = false} : vector<512x512xf32>, vector<512x1024xf32>, vector<512x1024xf32> -> vector<512x1024xf32>
    %add3A_26 = arith.addf %dot_general3A_20, %dot_general3A_25 : vector<512x1024xf32>
    %logistic3A = arith.negf %add3A : vector<512x1024xf32>
    %logistic3A_27 = math.exp %logistic3A : vector<512x1024xf32>
    %logistic3A_28 = arith.constant 1.000000e+00 : f32
    %logistic3A_29 = vector.broadcast %logistic3A_28 : f32 to vector<512x1024xf32>
    %logistic3A_30 = arith.addf %logistic3A_29, %logistic3A_27 : vector<512x1024xf32>
    %logistic3A_31 = arith.divf %logistic3A_29, %logistic3A_30 : vector<512x1024xf32>
    %mul3A = arith.mulf %add3A, %logistic3A_31 : vector<512x1024xf32>
    %mul3A_32 = arith.mulf %mul3A, %add3A_26 : vector<512x1024xf32>
    %get3A_33 = arith.constant 0 : index
    %get3A_34 = arith.constant 0 : index
    %get3A_35 = vector.load %arg4[%get3A_33, %get3A_34] : memref<1024x1024xf32, #tpu.memory_space<vmem>>, vector<1024x1024xf32>
    %dot_general3A_36 = arith.constant dense<0.000000e+00> : vector<512x1024xf32>
    %dot_general3A_37 = tpu.matmul %mul3A_32, %get3A_35, %dot_general3A_36 {dimension_numbers = #tpu.dot_dimension_numbers<[1], [0], [0], [1], [0, 0, 1, 1], [], []>, transpose_lhs_hint = false} : vector<512x1024xf32>, vector<1024x1024xf32>, vector<512x1024xf32> -> vector<512x1024xf32>
    %swap3A = arith.constant 0 : index
    %swap3A_38 = arith.constant 0 : index
    %swap3A_39 = vector.load %arg5[%swap3A, %swap3A_38] : memref<512x1024xf32, #tpu.memory_space<vmem>>, vector<512x1024xf32>
    tpu.vector_store %arg5[%swap3A, %swap3A_38], %dot_general3A_37 {strides = array<i32>} : memref<512x1024xf32, #tpu.memory_space<vmem>>, vector<512x1024xf32>,
    return
  }
  func.func @transform_0(%arg0: i32) -> (i32, i32) {
    %c0_i32 = arith.constant 0 : i32
    %c0_i32_0 = arith.constant 0 : i32
    return %arg0, %c0_i32 : i32, i32
  }
  func.func @transform_1(%arg0: i32) -> (i32, i32) {
    %c0_i32 = arith.constant 0 : i32
    %c0_i32_0 = arith.constant 0 : i32
    %c0_i32_1 = arith.constant 0 : i32
    return %c0_i32, %c0_i32_0 : i32, i32
  }
  func.func @transform_2(%arg0: i32) -> (i32, i32) {
    %c0_i32 = arith.constant 0 : i32
    %c0_i32_0 = arith.constant 0 : i32
    %c0_i32_1 = arith.constant 0 : i32
    return %c0_i32, %c0_i32_0 : i32, i32
  }
  func.func @transform_3(%arg0: i32) -> (i32, i32) {
    %c0_i32 = arith.constant 0 : i32
    %c0_i32_0 = arith.constant 0 : i32
    %c0_i32_1 = arith.constant 0 : i32
    return %c0_i32, %c0_i32_0 : i32, i32
  }
  func.func @transform_4(%arg0: i32) -> (i32, i32) {
    %c0_i32 = arith.constant 0 : i32
    %c0_i32_0 = arith.constant 0 : i32
    return %arg0, %c0_i32 : i32, i32
  }
}

module attributes {stable_mosaic.version = 14 : i64} {
  func.func @_router_body(%arg0: memref<2048x1024xf32, #tpu.memory_space<vmem>>, %arg1: memref<1024x8xf32, #tpu.memory_space<vmem>>, %arg2: memref<1x8xf32, #tpu.memory_space<vmem>>, %arg3: memref<2048xi32, #tpu.memory_space<vmem>>, %arg4: memref<2048xi32, #tpu.memory_space<vmem>>, %arg5: memref<2048x16xf32, #tpu.memory_space<vmem>>, %arg6: memref<2048x16xf32, #tpu.memory_space<vmem>>, %arg7: memref<1x17xi32, #tpu.memory_space<vmem>>, %arg8: memref<2048x512xi32, #tpu.memory_space<vmem>>) attributes {dimension_semantics = [], scalar_prefetch = 0 : i64, scratch_operands = 0 : i64, tpu.core_type = #tpu.core_type<tc>} {
    %get3A = arith.constant 0 : index
    %get3A_0 = arith.constant 0 : index
    %get3A_1 = vector.load %arg0[%get3A, %get3A_0] : memref<2048x1024xf32, #tpu.memory_space<vmem>>, vector<2048x1024xf32>
    %slice3A = vector.extract_strided_slice %get3A_1 {offsets = [0, 0], sizes = [2048, 512], strides = [1, 1]} : vector<2048x1024xf32> to vector<2048x512xf32>
    %slice3A_2 = vector.extract_strided_slice %get3A_1 {offsets = [0, 512], sizes = [2048, 512], strides = [1, 1]} : vector<2048x1024xf32> to vector<2048x512xf32>
    %broadcast_in_dim3A = arith.constant -65536 : i32
    %broadcast_in_dim3A_3 = vector.broadcast %broadcast_in_dim3A : i32 to vector<2048x512xi32>
    %convert_element_type3A = arith.truncf %slice3A : vector<2048x512xf32> to vector<2048x512xbf16>
    %convert_element_type3A_4 = arith.extf %convert_element_type3A : vector<2048x512xbf16> to vector<2048x512xf32>
    %bitcast3A = tpu.bitcast %convert_element_type3A_4 : vector<2048x512xf32> -> vector<2048x512xi32>
    %shift_right_logical3A = arith.constant 16 : i32
    %shift_right_logical3A_5 = vector.broadcast %shift_right_logical3A : i32 to vector<2048x512xi32>
    %shift_right_logical3A_6 = arith.shrui %bitcast3A, %shift_right_logical3A_5 : vector<2048x512xi32>
    %convert_element_type3A_7 = arith.truncf %slice3A_2 : vector<2048x512xf32> to vector<2048x512xbf16>
    %convert_element_type3A_8 = arith.extf %convert_element_type3A_7 : vector<2048x512xbf16> to vector<2048x512xf32>
    %bitcast3A_9 = tpu.bitcast %convert_element_type3A_8 : vector<2048x512xf32> -> vector<2048x512xi32>
    %and3A = arith.andi %bitcast3A_9, %broadcast_in_dim3A_3 : vector<2048x512xi32>
    %or3A = arith.ori %shift_right_logical3A_6, %and3A : vector<2048x512xi32>
    %bitcast3A_10 = tpu.bitcast %or3A : vector<2048x512xi32> -> vector<2048x512xi32>
    %swap3A = arith.constant 0 : index
    %swap3A_11 = arith.constant 0 : index
    %swap3A_12 = vector.load %arg8[%swap3A, %swap3A_11] : memref<2048x512xi32, #tpu.memory_space<vmem>>, vector<2048x512xi32>
    tpu.vector_store %arg8[%swap3A, %swap3A_11], %bitcast3A_10 {strides = array<i32>} : memref<2048x512xi32, #tpu.memory_space<vmem>>, vector<2048x512xi32>,
    %get3A_13 = arith.constant 0 : index
    %get3A_14 = arith.constant 0 : index
    %get3A_15 = vector.load %arg1[%get3A_13, %get3A_14] : memref<1024x8xf32, #tpu.memory_space<vmem>>, vector<1024x8xf32>
    %dot_general3A = arith.constant dense<0.000000e+00> : vector<2048x8xf32>
    %dot_general3A_16 = tpu.matmul %get3A_1, %get3A_15, %dot_general3A {dimension_numbers = #tpu.dot_dimension_numbers<[1], [0], [0], [1], [0, 0, 1, 1], [], []>, transpose_lhs_hint = false} : vector<2048x1024xf32>, vector<1024x8xf32>, vector<2048x8xf32> -> vector<2048x8xf32>
    %logistic3A = arith.negf %dot_general3A_16 : vector<2048x8xf32>
    %logistic3A_17 = math.exp %logistic3A : vector<2048x8xf32>
    %logistic3A_18 = arith.constant 1.000000e+00 : f32
    %logistic3A_19 = vector.broadcast %logistic3A_18 : f32 to vector<2048x8xf32>
    %logistic3A_20 = arith.addf %logistic3A_19, %logistic3A_17 : vector<2048x8xf32>
    %logistic3A_21 = arith.divf %logistic3A_19, %logistic3A_20 : vector<2048x8xf32>
    %get3A_22 = arith.constant 0 : index
    %get3A_23 = arith.constant 0 : index
    %get3A_24 = vector.load %arg2[%get3A_22, %get3A_23] : memref<1x8xf32, #tpu.memory_space<vmem>>, vector<1x8xf32>
    %add3A = vector.broadcast %get3A_24 : vector<1x8xf32> to vector<2048x8xf32>
    %add3A_25 = arith.addf %logistic3A_21, %add3A : vector<2048x8xf32>
    %iota3A = tpu.iota {dimensions = array<i32: 1>} : vector<2048x8xi32>
    %reduce_max3A = arith.constant dense<0xFF800000> : vector<2048xf32>
    %reduce_max3A_26 = vector.multi_reduction <maximumf>, %add3A_25, %reduce_max3A [1] : vector<2048x8xf32> to vector<2048xf32>
    %broadcast_in_dim3A_27 = vector.shape_cast %reduce_max3A_26 : vector<2048xf32> to vector<2048x1xf32>
    %ge3A = vector.broadcast %broadcast_in_dim3A_27 : vector<2048x1xf32> to vector<2048x8xf32>
    %ge3A_28 = arith.cmpf oge, %add3A_25, %ge3A : vector<2048x8xf32>
    %jit3A = arith.constant 8 : i32
    %broadcast_in_dim3A_29 = vector.broadcast %jit3A : i32 to vector<2048x8xi32>
    %select_n3A = arith.select %ge3A_28, %iota3A, %broadcast_in_dim3A_29 : vector<2048x8xi1>, vector<2048x8xi32>
    %reduce_min3A = arith.constant dense<2147483647> : vector<2048xi32>
    %reduce_min3A_30 = vector.multi_reduction <minsi>, %select_n3A, %reduce_min3A [1] : vector<2048x8xi32> to vector<2048xi32>
    %broadcast_in_dim3A_31 = vector.shape_cast %reduce_min3A_30 : vector<2048xi32> to vector<2048x1xi32>
    %eq3A = vector.broadcast %broadcast_in_dim3A_31 : vector<2048x1xi32> to vector<2048x8xi32>
    %eq3A_32 = arith.cmpi eq, %iota3A, %eq3A : vector<2048x8xi32>
    %jit3A_33 = arith.constant 0xFF800000 : f32
    %broadcast_in_dim3A_34 = vector.broadcast %jit3A_33 : f32 to vector<2048x8xf32>
    %select_n3A_35 = arith.select %eq3A_32, %broadcast_in_dim3A_34, %add3A_25 : vector<2048x8xi1>, vector<2048x8xf32>
    %reduce_max3A_36 = arith.constant dense<0xFF800000> : vector<2048xf32>
    %reduce_max3A_37 = vector.multi_reduction <maximumf>, %select_n3A_35, %reduce_max3A_36 [1] : vector<2048x8xf32> to vector<2048xf32>
    %broadcast_in_dim3A_38 = vector.shape_cast %reduce_max3A_37 : vector<2048xf32> to vector<2048x1xf32>
    %ge3A_39 = vector.broadcast %broadcast_in_dim3A_38 : vector<2048x1xf32> to vector<2048x8xf32>
    %ge3A_40 = arith.cmpf oge, %select_n3A_35, %ge3A_39 : vector<2048x8xf32>
    %jit3A_41 = arith.constant 8 : i32
    %broadcast_in_dim3A_42 = vector.broadcast %jit3A_41 : i32 to vector<2048x8xi32>
    %select_n3A_43 = arith.select %ge3A_40, %iota3A, %broadcast_in_dim3A_42 : vector<2048x8xi1>, vector<2048x8xi32>
    %reduce_min3A_44 = arith.constant dense<2147483647> : vector<2048xi32>
    %reduce_min3A_45 = vector.multi_reduction <minsi>, %select_n3A_43, %reduce_min3A_44 [1] : vector<2048x8xi32> to vector<2048xi32>
    %broadcast_in_dim3A_46 = vector.shape_cast %reduce_min3A_45 : vector<2048xi32> to vector<2048x1xi32>
    %eq3A_47 = vector.broadcast %broadcast_in_dim3A_31 : vector<2048x1xi32> to vector<2048x8xi32>
    %eq3A_48 = arith.cmpi eq, %iota3A, %eq3A_47 : vector<2048x8xi32>
    %jit3A_49 = arith.constant 0.000000e+00 : f32
    %broadcast_in_dim3A_50 = vector.broadcast %jit3A_49 : f32 to vector<2048x8xf32>
    %select_n3A_51 = arith.select %eq3A_48, %logistic3A_21, %broadcast_in_dim3A_50 : vector<2048x8xi1>, vector<2048x8xf32>
    %reduce_sum3A = arith.constant dense<0.000000e+00> : vector<2048xf32>
    %reduce_sum3A_52 = vector.multi_reduction <add>, %select_n3A_51, %reduce_sum3A [1] : vector<2048x8xf32> to vector<2048xf32>
    %broadcast_in_dim3A_53 = vector.shape_cast %reduce_sum3A_52 : vector<2048xf32> to vector<2048x1xf32>
    %eq3A_54 = vector.broadcast %broadcast_in_dim3A_46 : vector<2048x1xi32> to vector<2048x8xi32>
    %eq3A_55 = arith.cmpi eq, %iota3A, %eq3A_54 : vector<2048x8xi32>
    %jit3A_56 = arith.constant 0.000000e+00 : f32
    %broadcast_in_dim3A_57 = vector.broadcast %jit3A_56 : f32 to vector<2048x8xf32>
    %select_n3A_58 = arith.select %eq3A_55, %logistic3A_21, %broadcast_in_dim3A_57 : vector<2048x8xi1>, vector<2048x8xf32>
    %reduce_sum3A_59 = arith.constant dense<0.000000e+00> : vector<2048xf32>
    %reduce_sum3A_60 = vector.multi_reduction <add>, %select_n3A_58, %reduce_sum3A_59 [1] : vector<2048x8xf32> to vector<2048xf32>
    %broadcast_in_dim3A_61 = vector.shape_cast %reduce_sum3A_60 : vector<2048xf32> to vector<2048x1xf32>
    %add3A_62 = arith.addf %broadcast_in_dim3A_53, %broadcast_in_dim3A_61 : vector<2048x1xf32>
    %add3A_63 = arith.constant 9.99999968E-21 : f32
    %add3A_64 = vector.broadcast %add3A_63 : f32 to vector<2048x1xf32>
    %add3A_65 = arith.addf %add3A_62, %add3A_64 : vector<2048x1xf32>
    %div3A = arith.divf %broadcast_in_dim3A_53, %add3A_65 : vector<2048x1xf32>
    %broadcast_in_dim3A_66 = vector.shape_cast %div3A : vector<2048x1xf32> to vector<2048x1xf32>
    %broadcast_in_dim3A_67 = vector.broadcast %broadcast_in_dim3A_66 : vector<2048x1xf32> to vector<2048x16xf32>
    %swap3A_68 = arith.constant 0 : index
    %swap3A_69 = arith.constant 0 : index
    %swap3A_70 = vector.load %arg5[%swap3A_68, %swap3A_69] : memref<2048x16xf32, #tpu.memory_space<vmem>>, vector<2048x16xf32>
    tpu.vector_store %arg5[%swap3A_68, %swap3A_69], %broadcast_in_dim3A_67 {strides = array<i32>} : memref<2048x16xf32, #tpu.memory_space<vmem>>, vector<2048x16xf32>,
    %div3A_71 = arith.divf %broadcast_in_dim3A_61, %add3A_65 : vector<2048x1xf32>
    %broadcast_in_dim3A_72 = vector.shape_cast %div3A_71 : vector<2048x1xf32> to vector<2048x1xf32>
    %broadcast_in_dim3A_73 = vector.broadcast %broadcast_in_dim3A_72 : vector<2048x1xf32> to vector<2048x16xf32>
    %swap3A_74 = arith.constant 0 : index
    %swap3A_75 = arith.constant 0 : index
    %swap3A_76 = vector.load %arg6[%swap3A_74, %swap3A_75] : memref<2048x16xf32, #tpu.memory_space<vmem>>, vector<2048x16xf32>
    tpu.vector_store %arg6[%swap3A_74, %swap3A_75], %broadcast_in_dim3A_73 {strides = array<i32>} : memref<2048x16xf32, #tpu.memory_space<vmem>>, vector<2048x16xf32>,
    %eq3A_77 = vector.broadcast %broadcast_in_dim3A_31 : vector<2048x1xi32> to vector<2048x8xi32>
    %eq3A_78 = arith.cmpi eq, %iota3A, %eq3A_77 : vector<2048x8xi32>
    %eq3A_79 = vector.broadcast %broadcast_in_dim3A_46 : vector<2048x1xi32> to vector<2048x8xi32>
    %eq3A_80 = arith.cmpi eq, %iota3A, %eq3A_79 : vector<2048x8xi32>
    %or3A_81 = arith.ori %eq3A_78, %eq3A_80 : vector<2048x8xi1>
    %convert_element_type3A_82 = arith.extui %or3A_81 : vector<2048x8xi1> to vector<2048x8xi32>
    %convert_element_type3A_83 = arith.sitofp %convert_element_type3A_82 : vector<2048x8xi32> to vector<2048x8xf32>
    %broadcast_in_dim3A_84 = arith.constant 0.000000e+00 : f32
    %broadcast_in_dim3A_85 = vector.broadcast %broadcast_in_dim3A_84 : f32 to vector<1x8xf32>
    %slice3A_86 = vector.extract_strided_slice %convert_element_type3A_83 {offsets = [0, 0], sizes = [2047, 8], strides = [1, 1]} : vector<2048x8xf32> to vector<2047x8xf32>
    %concatenate3A = tpu.concatenate %broadcast_in_dim3A_85, %slice3A_86 in 0 : vector<1x8xf32>, vector<2047x8xf32> -> vector<2048x8xf32>
    %add3A_87 = arith.addf %convert_element_type3A_83, %concatenate3A : vector<2048x8xf32>
    %broadcast_in_dim3A_88 = arith.constant 0.000000e+00 : f32
    %broadcast_in_dim3A_89 = vector.broadcast %broadcast_in_dim3A_88 : f32 to vector<2x8xf32>
    %slice3A_90 = vector.extract_strided_slice %add3A_87 {offsets = [0, 0], sizes = [2046, 8], strides = [1, 1]} : vector<2048x8xf32> to vector<2046x8xf32>
    %concatenate3A_91 = tpu.concatenate %broadcast_in_dim3A_89, %slice3A_90 in 0 : vector<2x8xf32>, vector<2046x8xf32> -> vector<2048x8xf32>
    %add3A_92 = arith.addf %add3A_87, %concatenate3A_91 : vector<2048x8xf32>
    %broadcast_in_dim3A_93 = arith.constant 0.000000e+00 : f32
    %broadcast_in_dim3A_94 = vector.broadcast %broadcast_in_dim3A_93 : f32 to vector<4x8xf32>
    %slice3A_95 = vector.extract_strided_slice %add3A_92 {offsets = [0, 0], sizes = [2044, 8], strides = [1, 1]} : vector<2048x8xf32> to vector<2044x8xf32>
    %concatenate3A_96 = tpu.concatenate %broadcast_in_dim3A_94, %slice3A_95 in 0 : vector<4x8xf32>, vector<2044x8xf32> -> vector<2048x8xf32>
    %add3A_97 = arith.addf %add3A_92, %concatenate3A_96 : vector<2048x8xf32>
    %broadcast_in_dim3A_98 = arith.constant 0.000000e+00 : f32
    %broadcast_in_dim3A_99 = vector.broadcast %broadcast_in_dim3A_98 : f32 to vector<8x8xf32>
    %slice3A_100 = vector.extract_strided_slice %add3A_97 {offsets = [0, 0], sizes = [2040, 8], strides = [1, 1]} : vector<2048x8xf32> to vector<2040x8xf32>
    %concatenate3A_101 = tpu.concatenate %broadcast_in_dim3A_99, %slice3A_100 in 0 : vector<8x8xf32>, vector<2040x8xf32> -> vector<2048x8xf32>
    %add3A_102 = arith.addf %add3A_97, %concatenate3A_101 : vector<2048x8xf32>
    %broadcast_in_dim3A_103 = arith.constant 0.000000e+00 : f32
    %broadcast_in_dim3A_104 = vector.broadcast %broadcast_in_dim3A_103 : f32 to vector<16x8xf32>
    %slice3A_105 = vector.extract_strided_slice %add3A_102 {offsets = [0, 0], sizes = [2032, 8], strides = [1, 1]} : vector<2048x8xf32> to vector<2032x8xf32>
    %concatenate3A_106 = tpu.concatenate %broadcast_in_dim3A_104, %slice3A_105 in 0 : vector<16x8xf32>, vector<2032x8xf32> -> vector<2048x8xf32>
    %add3A_107 = arith.addf %add3A_102, %concatenate3A_106 : vector<2048x8xf32>
    %broadcast_in_dim3A_108 = arith.constant 0.000000e+00 : f32
    %broadcast_in_dim3A_109 = vector.broadcast %broadcast_in_dim3A_108 : f32 to vector<32x8xf32>
    %slice3A_110 = vector.extract_strided_slice %add3A_107 {offsets = [0, 0], sizes = [2016, 8], strides = [1, 1]} : vector<2048x8xf32> to vector<2016x8xf32>
    %concatenate3A_111 = tpu.concatenate %broadcast_in_dim3A_109, %slice3A_110 in 0 : vector<32x8xf32>, vector<2016x8xf32> -> vector<2048x8xf32>
    %add3A_112 = arith.addf %add3A_107, %concatenate3A_111 : vector<2048x8xf32>
    %broadcast_in_dim3A_113 = arith.constant 0.000000e+00 : f32
    %broadcast_in_dim3A_114 = vector.broadcast %broadcast_in_dim3A_113 : f32 to vector<64x8xf32>
    %slice3A_115 = vector.extract_strided_slice %add3A_112 {offsets = [0, 0], sizes = [1984, 8], strides = [1, 1]} : vector<2048x8xf32> to vector<1984x8xf32>
    %concatenate3A_116 = tpu.concatenate %broadcast_in_dim3A_114, %slice3A_115 in 0 : vector<64x8xf32>, vector<1984x8xf32> -> vector<2048x8xf32>
    %add3A_117 = arith.addf %add3A_112, %concatenate3A_116 : vector<2048x8xf32>
    %broadcast_in_dim3A_118 = arith.constant 0.000000e+00 : f32
    %broadcast_in_dim3A_119 = vector.broadcast %broadcast_in_dim3A_118 : f32 to vector<128x8xf32>
    %slice3A_120 = vector.extract_strided_slice %add3A_117 {offsets = [0, 0], sizes = [1920, 8], strides = [1, 1]} : vector<2048x8xf32> to vector<1920x8xf32>
    %concatenate3A_121 = tpu.concatenate %broadcast_in_dim3A_119, %slice3A_120 in 0 : vector<128x8xf32>, vector<1920x8xf32> -> vector<2048x8xf32>
    %add3A_122 = arith.addf %add3A_117, %concatenate3A_121 : vector<2048x8xf32>
    %broadcast_in_dim3A_123 = arith.constant 0.000000e+00 : f32
    %broadcast_in_dim3A_124 = vector.broadcast %broadcast_in_dim3A_123 : f32 to vector<256x8xf32>
    %slice3A_125 = vector.extract_strided_slice %add3A_122 {offsets = [0, 0], sizes = [1792, 8], strides = [1, 1]} : vector<2048x8xf32> to vector<1792x8xf32>
    %concatenate3A_126 = tpu.concatenate %broadcast_in_dim3A_124, %slice3A_125 in 0 : vector<256x8xf32>, vector<1792x8xf32> -> vector<2048x8xf32>
    %add3A_127 = arith.addf %add3A_122, %concatenate3A_126 : vector<2048x8xf32>
    %broadcast_in_dim3A_128 = arith.constant 0.000000e+00 : f32
    %broadcast_in_dim3A_129 = vector.broadcast %broadcast_in_dim3A_128 : f32 to vector<512x8xf32>
    %slice3A_130 = vector.extract_strided_slice %add3A_127 {offsets = [0, 0], sizes = [1536, 8], strides = [1, 1]} : vector<2048x8xf32> to vector<1536x8xf32>
    %concatenate3A_131 = tpu.concatenate %broadcast_in_dim3A_129, %slice3A_130 in 0 : vector<512x8xf32>, vector<1536x8xf32> -> vector<2048x8xf32>
    %add3A_132 = arith.addf %add3A_127, %concatenate3A_131 : vector<2048x8xf32>
    %broadcast_in_dim3A_133 = arith.constant 0.000000e+00 : f32
    %broadcast_in_dim3A_134 = vector.broadcast %broadcast_in_dim3A_133 : f32 to vector<1024x8xf32>
    %slice3A_135 = vector.extract_strided_slice %add3A_132 {offsets = [0, 0], sizes = [1024, 8], strides = [1, 1]} : vector<2048x8xf32> to vector<1024x8xf32>
    %concatenate3A_136 = tpu.concatenate %broadcast_in_dim3A_134, %slice3A_135 in 0 : vector<1024x8xf32>, vector<1024x8xf32> -> vector<2048x8xf32>
    %add3A_137 = arith.addf %add3A_132, %concatenate3A_136 : vector<2048x8xf32>
    %slice3A_138 = vector.extract_strided_slice %add3A_137 {offsets = [2047, 0], sizes = [1, 8], strides = [1, 1]} : vector<2048x8xf32> to vector<1x8xf32>
    %add3A_139 = arith.constant 5.110000e+02 : f32
    %add3A_140 = vector.broadcast %add3A_139 : f32 to vector<1x8xf32>
    %add3A_141 = arith.addf %slice3A_138, %add3A_140 : vector<1x8xf32>
    %div3A_142 = arith.constant 5.120000e+02 : f32
    %div3A_143 = vector.broadcast %div3A_142 : f32 to vector<1x8xf32>
    %div3A_144 = arith.divf %add3A_141, %div3A_143 : vector<1x8xf32>
    %floor3A = math.floor %div3A_144 : vector<1x8xf32>
    %mul3A = arith.constant 5.120000e+02 : f32
    %mul3A_145 = vector.broadcast %mul3A : f32 to vector<1x8xf32>
    %mul3A_146 = arith.mulf %floor3A, %mul3A_145 : vector<1x8xf32>
    %iota3A_147 = tpu.iota {dimensions = array<i32: 0>} : vector<8x8xi32>
    %iota3A_148 = tpu.iota {dimensions = array<i32: 1>} : vector<8x8xi32>
    %lt3A = arith.cmpi slt, %iota3A_147, %iota3A_148 : vector<8x8xi32>
    %convert_element_type3A_149 = arith.extui %lt3A : vector<8x8xi1> to vector<8x8xi32>
    %convert_element_type3A_150 = arith.sitofp %convert_element_type3A_149 : vector<8x8xi32> to vector<8x8xf32>
    %dot_general3A_151 = arith.constant dense<0.000000e+00> : vector<1x8xf32>
    %dot_general3A_152 = tpu.matmul %mul3A_146, %convert_element_type3A_150, %dot_general3A_151 {dimension_numbers = #tpu.dot_dimension_numbers<[1], [0], [0], [1], [0, 0, 1, 1], [], []>, transpose_lhs_hint = false} : vector<1x8xf32>, vector<8x8xf32>, vector<1x8xf32> -> vector<1x8xf32>
    %eq3A_153 = vector.broadcast %broadcast_in_dim3A_31 : vector<2048x1xi32> to vector<2048x8xi32>
    %eq3A_154 = arith.cmpi eq, %iota3A, %eq3A_153 : vector<2048x8xi32>
    %add3A_155 = vector.broadcast %dot_general3A_152 : vector<1x8xf32> to vector<2048x8xf32>
    %add3A_156 = arith.addf %add3A_155, %add3A_137 : vector<2048x8xf32>
    %sub3A = arith.constant 1.000000e+00 : f32
    %sub3A_157 = vector.broadcast %sub3A : f32 to vector<2048x8xf32>
    %sub3A_158 = arith.subf %add3A_156, %sub3A_157 : vector<2048x8xf32>
    %jit3A_159 = arith.constant 0.000000e+00 : f32
    %broadcast_in_dim3A_160 = vector.broadcast %jit3A_159 : f32 to vector<2048x8xf32>
    %select_n3A_161 = arith.select %eq3A_154, %sub3A_158, %broadcast_in_dim3A_160 : vector<2048x8xi1>, vector<2048x8xf32>
    %reduce_sum3A_162 = arith.constant dense<0.000000e+00> : vector<2048xf32>
    %reduce_sum3A_163 = vector.multi_reduction <add>, %select_n3A_161, %reduce_sum3A_162 [1] : vector<2048x8xf32> to vector<2048xf32>
    %broadcast_in_dim3A_164 = vector.shape_cast %reduce_sum3A_163 : vector<2048xf32> to vector<2048x1xf32>
    %eq3A_165 = vector.broadcast %broadcast_in_dim3A_46 : vector<2048x1xi32> to vector<2048x8xi32>
    %eq3A_166 = arith.cmpi eq, %iota3A, %eq3A_165 : vector<2048x8xi32>
    %add3A_167 = vector.broadcast %dot_general3A_152 : vector<1x8xf32> to vector<2048x8xf32>
    %add3A_168 = arith.addf %add3A_167, %add3A_137 : vector<2048x8xf32>
    %sub3A_169 = arith.constant 1.000000e+00 : f32
    %sub3A_170 = vector.broadcast %sub3A_169 : f32 to vector<2048x8xf32>
    %sub3A_171 = arith.subf %add3A_168, %sub3A_170 : vector<2048x8xf32>
    %jit3A_172 = arith.constant 0.000000e+00 : f32
    %broadcast_in_dim3A_173 = vector.broadcast %jit3A_172 : f32 to vector<2048x8xf32>
    %select_n3A_174 = arith.select %eq3A_166, %sub3A_171, %broadcast_in_dim3A_173 : vector<2048x8xi1>, vector<2048x8xf32>
    %reduce_sum3A_175 = arith.constant dense<0.000000e+00> : vector<2048xf32>
    %reduce_sum3A_176 = vector.multi_reduction <add>, %select_n3A_174, %reduce_sum3A_175 [1] : vector<2048x8xf32> to vector<2048xf32>
    %broadcast_in_dim3A_177 = vector.shape_cast %reduce_sum3A_176 : vector<2048xf32> to vector<2048x1xf32>
    %convert_element_type3A_178 = arith.fptosi %broadcast_in_dim3A_164 : vector<2048x1xf32> to vector<2048x1xi32>
    %reshape3A = vector.shape_cast %convert_element_type3A_178 : vector<2048x1xi32> to vector<2048xi32>
    %swap3A_179 = arith.constant 0 : index
    %swap3A_180 = vector.load %arg3[%swap3A_179] : memref<2048xi32, #tpu.memory_space<vmem>>, vector<2048xi32>
    tpu.vector_store %arg3[%swap3A_179], %reshape3A {strides = array<i32>} : memref<2048xi32, #tpu.memory_space<vmem>>, vector<2048xi32>,
    %convert_element_type3A_181 = arith.fptosi %broadcast_in_dim3A_177 : vector<2048x1xf32> to vector<2048x1xi32>
    %reshape3A_182 = vector.shape_cast %convert_element_type3A_181 : vector<2048x1xi32> to vector<2048xi32>
    %swap3A_183 = arith.constant 0 : index
    %swap3A_184 = vector.load %arg4[%swap3A_183] : memref<2048xi32, #tpu.memory_space<vmem>>, vector<2048xi32>
    tpu.vector_store %arg4[%swap3A_183], %reshape3A_182 {strides = array<i32>} : memref<2048xi32, #tpu.memory_space<vmem>>, vector<2048xi32>,
    %iota3A_185 = tpu.iota {dimensions = array<i32: 1>} : vector<1x8xi32>
    %eq3A_186 = arith.constant 0 : i32
    %eq3A_187 = vector.broadcast %eq3A_186 : i32 to vector<1x8xi32>
    %eq3A_188 = arith.cmpi eq, %iota3A_185, %eq3A_187 : vector<1x8xi32>
    %jit3A_189 = arith.constant 0.000000e+00 : f32
    %broadcast_in_dim3A_190 = vector.broadcast %jit3A_189 : f32 to vector<1x8xf32>
    %select_n3A_191 = arith.select %eq3A_188, %dot_general3A_152, %broadcast_in_dim3A_190 : vector<1x8xi1>, vector<1x8xf32>
    %reduce_sum3A_192 = vector.shape_cast %select_n3A_191 : vector<1x8xf32> to vector<1x1x8xf32>
    %reduce_sum3A_193 = arith.constant dense<0.000000e+00> : vector<1xf32>
    %reduce_sum3A_194 = vector.multi_reduction <add>, %reduce_sum3A_192, %reduce_sum3A_193 [1, 2] : vector<1x1x8xf32> to vector<1xf32>
    %reduce_sum3A_195 = vector.shape_cast %reduce_sum3A_194 : vector<1xf32> to vector<1x1x1xf32>
    %reduce_sum3A_196 = vector.extract %reduce_sum3A_195[0, 0, 0] : f32 from vector<1x1x1xf32>
    %eq3A_197 = arith.constant 1 : i32
    %eq3A_198 = vector.broadcast %eq3A_197 : i32 to vector<1x8xi32>
    %eq3A_199 = arith.cmpi eq, %iota3A_185, %eq3A_198 : vector<1x8xi32>
    %jit3A_200 = arith.constant 0.000000e+00 : f32
    %broadcast_in_dim3A_201 = vector.broadcast %jit3A_200 : f32 to vector<1x8xf32>
    %select_n3A_202 = arith.select %eq3A_199, %dot_general3A_152, %broadcast_in_dim3A_201 : vector<1x8xi1>, vector<1x8xf32>
    %reduce_sum3A_203 = vector.shape_cast %select_n3A_202 : vector<1x8xf32> to vector<1x1x8xf32>
    %reduce_sum3A_204 = arith.constant dense<0.000000e+00> : vector<1xf32>
    %reduce_sum3A_205 = vector.multi_reduction <add>, %reduce_sum3A_203, %reduce_sum3A_204 [1, 2] : vector<1x1x8xf32> to vector<1xf32>
    %reduce_sum3A_206 = vector.shape_cast %reduce_sum3A_205 : vector<1xf32> to vector<1x1x1xf32>
    %reduce_sum3A_207 = vector.extract %reduce_sum3A_206[0, 0, 0] : f32 from vector<1x1x1xf32>
    %eq3A_208 = arith.constant 2 : i32
    %eq3A_209 = vector.broadcast %eq3A_208 : i32 to vector<1x8xi32>
    %eq3A_210 = arith.cmpi eq, %iota3A_185, %eq3A_209 : vector<1x8xi32>
    %jit3A_211 = arith.constant 0.000000e+00 : f32
    %broadcast_in_dim3A_212 = vector.broadcast %jit3A_211 : f32 to vector<1x8xf32>
    %select_n3A_213 = arith.select %eq3A_210, %dot_general3A_152, %broadcast_in_dim3A_212 : vector<1x8xi1>, vector<1x8xf32>
    %reduce_sum3A_214 = vector.shape_cast %select_n3A_213 : vector<1x8xf32> to vector<1x1x8xf32>
    %reduce_sum3A_215 = arith.constant dense<0.000000e+00> : vector<1xf32>
    %reduce_sum3A_216 = vector.multi_reduction <add>, %reduce_sum3A_214, %reduce_sum3A_215 [1, 2] : vector<1x1x8xf32> to vector<1xf32>
    %reduce_sum3A_217 = vector.shape_cast %reduce_sum3A_216 : vector<1xf32> to vector<1x1x1xf32>
    %reduce_sum3A_218 = vector.extract %reduce_sum3A_217[0, 0, 0] : f32 from vector<1x1x1xf32>
    %eq3A_219 = arith.constant 3 : i32
    %eq3A_220 = vector.broadcast %eq3A_219 : i32 to vector<1x8xi32>
    %eq3A_221 = arith.cmpi eq, %iota3A_185, %eq3A_220 : vector<1x8xi32>
    %jit3A_222 = arith.constant 0.000000e+00 : f32
    %broadcast_in_dim3A_223 = vector.broadcast %jit3A_222 : f32 to vector<1x8xf32>
    %select_n3A_224 = arith.select %eq3A_221, %dot_general3A_152, %broadcast_in_dim3A_223 : vector<1x8xi1>, vector<1x8xf32>
    %reduce_sum3A_225 = vector.shape_cast %select_n3A_224 : vector<1x8xf32> to vector<1x1x8xf32>
    %reduce_sum3A_226 = arith.constant dense<0.000000e+00> : vector<1xf32>
    %reduce_sum3A_227 = vector.multi_reduction <add>, %reduce_sum3A_225, %reduce_sum3A_226 [1, 2] : vector<1x1x8xf32> to vector<1xf32>
    %reduce_sum3A_228 = vector.shape_cast %reduce_sum3A_227 : vector<1xf32> to vector<1x1x1xf32>
    %reduce_sum3A_229 = vector.extract %reduce_sum3A_228[0, 0, 0] : f32 from vector<1x1x1xf32>
    %eq3A_230 = arith.constant 4 : i32
    %eq3A_231 = vector.broadcast %eq3A_230 : i32 to vector<1x8xi32>
    %eq3A_232 = arith.cmpi eq, %iota3A_185, %eq3A_231 : vector<1x8xi32>
    %jit3A_233 = arith.constant 0.000000e+00 : f32
    %broadcast_in_dim3A_234 = vector.broadcast %jit3A_233 : f32 to vector<1x8xf32>
    %select_n3A_235 = arith.select %eq3A_232, %dot_general3A_152, %broadcast_in_dim3A_234 : vector<1x8xi1>, vector<1x8xf32>
    %reduce_sum3A_236 = vector.shape_cast %select_n3A_235 : vector<1x8xf32> to vector<1x1x8xf32>
    %reduce_sum3A_237 = arith.constant dense<0.000000e+00> : vector<1xf32>
    %reduce_sum3A_238 = vector.multi_reduction <add>, %reduce_sum3A_236, %reduce_sum3A_237 [1, 2] : vector<1x1x8xf32> to vector<1xf32>
    %reduce_sum3A_239 = vector.shape_cast %reduce_sum3A_238 : vector<1xf32> to vector<1x1x1xf32>
    %reduce_sum3A_240 = vector.extract %reduce_sum3A_239[0, 0, 0] : f32 from vector<1x1x1xf32>
    %eq3A_241 = arith.constant 5 : i32
    %eq3A_242 = vector.broadcast %eq3A_241 : i32 to vector<1x8xi32>
    %eq3A_243 = arith.cmpi eq, %iota3A_185, %eq3A_242 : vector<1x8xi32>
    %jit3A_244 = arith.constant 0.000000e+00 : f32
    %broadcast_in_dim3A_245 = vector.broadcast %jit3A_244 : f32 to vector<1x8xf32>
    %select_n3A_246 = arith.select %eq3A_243, %dot_general3A_152, %broadcast_in_dim3A_245 : vector<1x8xi1>, vector<1x8xf32>
    %reduce_sum3A_247 = vector.shape_cast %select_n3A_246 : vector<1x8xf32> to vector<1x1x8xf32>
    %reduce_sum3A_248 = arith.constant dense<0.000000e+00> : vector<1xf32>
    %reduce_sum3A_249 = vector.multi_reduction <add>, %reduce_sum3A_247, %reduce_sum3A_248 [1, 2] : vector<1x1x8xf32> to vector<1xf32>
    %reduce_sum3A_250 = vector.shape_cast %reduce_sum3A_249 : vector<1xf32> to vector<1x1x1xf32>
    %reduce_sum3A_251 = vector.extract %reduce_sum3A_250[0, 0, 0] : f32 from vector<1x1x1xf32>
    %eq3A_252 = arith.constant 6 : i32
    %eq3A_253 = vector.broadcast %eq3A_252 : i32 to vector<1x8xi32>
    %eq3A_254 = arith.cmpi eq, %iota3A_185, %eq3A_253 : vector<1x8xi32>
    %jit3A_255 = arith.constant 0.000000e+00 : f32
    %broadcast_in_dim3A_256 = vector.broadcast %jit3A_255 : f32 to vector<1x8xf32>
    %select_n3A_257 = arith.select %eq3A_254, %dot_general3A_152, %broadcast_in_dim3A_256 : vector<1x8xi1>, vector<1x8xf32>
    %reduce_sum3A_258 = vector.shape_cast %select_n3A_257 : vector<1x8xf32> to vector<1x1x8xf32>
    %reduce_sum3A_259 = arith.constant dense<0.000000e+00> : vector<1xf32>
    %reduce_sum3A_260 = vector.multi_reduction <add>, %reduce_sum3A_258, %reduce_sum3A_259 [1, 2] : vector<1x1x8xf32> to vector<1xf32>
    %reduce_sum3A_261 = vector.shape_cast %reduce_sum3A_260 : vector<1xf32> to vector<1x1x1xf32>
    %reduce_sum3A_262 = vector.extract %reduce_sum3A_261[0, 0, 0] : f32 from vector<1x1x1xf32>
    %eq3A_263 = arith.constant 7 : i32
    %eq3A_264 = vector.broadcast %eq3A_263 : i32 to vector<1x8xi32>
    %eq3A_265 = arith.cmpi eq, %iota3A_185, %eq3A_264 : vector<1x8xi32>
    %jit3A_266 = arith.constant 0.000000e+00 : f32
    %broadcast_in_dim3A_267 = vector.broadcast %jit3A_266 : f32 to vector<1x8xf32>
    %select_n3A_268 = arith.select %eq3A_265, %dot_general3A_152, %broadcast_in_dim3A_267 : vector<1x8xi1>, vector<1x8xf32>
    %reduce_sum3A_269 = vector.shape_cast %select_n3A_268 : vector<1x8xf32> to vector<1x1x8xf32>
    %reduce_sum3A_270 = arith.constant dense<0.000000e+00> : vector<1xf32>
    %reduce_sum3A_271 = vector.multi_reduction <add>, %reduce_sum3A_269, %reduce_sum3A_270 [1, 2] : vector<1x1x8xf32> to vector<1xf32>
    %reduce_sum3A_272 = vector.shape_cast %reduce_sum3A_271 : vector<1xf32> to vector<1x1x1xf32>
    %reduce_sum3A_273 = vector.extract %reduce_sum3A_272[0, 0, 0] : f32 from vector<1x1x1xf32>
    %eq3A_274 = arith.constant 7 : i32
    %eq3A_275 = vector.broadcast %eq3A_274 : i32 to vector<1x8xi32>
    %eq3A_276 = arith.cmpi eq, %iota3A_185, %eq3A_275 : vector<1x8xi32>
    %jit3A_277 = arith.constant 0.000000e+00 : f32
    %broadcast_in_dim3A_278 = vector.broadcast %jit3A_277 : f32 to vector<1x8xf32>
    %select_n3A_279 = arith.select %eq3A_276, %mul3A_146, %broadcast_in_dim3A_278 : vector<1x8xi1>, vector<1x8xf32>
    %reduce_sum3A_280 = vector.shape_cast %select_n3A_279 : vector<1x8xf32> to vector<1x1x8xf32>
    %reduce_sum3A_281 = arith.constant dense<0.000000e+00> : vector<1xf32>
    %reduce_sum3A_282 = vector.multi_reduction <add>, %reduce_sum3A_280, %reduce_sum3A_281 [1, 2] : vector<1x1x8xf32> to vector<1xf32>
    %reduce_sum3A_283 = vector.shape_cast %reduce_sum3A_282 : vector<1xf32> to vector<1x1x1xf32>
    %reduce_sum3A_284 = vector.extract %reduce_sum3A_283[0, 0, 0] : f32 from vector<1x1x1xf32>
    %add3A_285 = arith.addf %reduce_sum3A_273, %reduce_sum3A_284 : f32
    %div3A_286 = arith.constant 5.120000e+02 : f32
    %div3A_287 = arith.divf %add3A_285, %div3A_286 : f32
    %convert_element_type3A_288 = arith.fptosi %div3A_287 : f32 to i32
    %iota3A_289 = tpu.iota {dimensions = array<i32: 1>} : vector<1x17xi32>
    %sub3A_290 = arith.constant 1 : i32
    %sub3A_291 = vector.broadcast %sub3A_290 : i32 to vector<1x17xi32>
    %sub3A_292 = arith.subi %iota3A_289, %sub3A_291 : vector<1x17xi32>
    %mul3A_293 = arith.constant 512 : i32
    %mul3A_294 = vector.broadcast %mul3A_293 : i32 to vector<1x17xi32>
    %mul3A_295 = arith.muli %sub3A_292, %mul3A_294 : vector<1x17xi32>
    %convert_element_type3A_296 = arith.sitofp %mul3A_295 : vector<1x17xi32> to vector<1x17xf32>
    %ge3A_297 = vector.broadcast %reduce_sum3A_196 : f32 to vector<1x17xf32>
    %ge3A_298 = arith.cmpf oge, %convert_element_type3A_296, %ge3A_297 : vector<1x17xf32>
    %convert_element_type3A_299 = arith.extui %ge3A_298 : vector<1x17xi1> to vector<1x17xi32>
    %add3A_300 = arith.constant 0 : i32
    %add3A_301 = vector.broadcast %add3A_300 : i32 to vector<1x17xi32>
    %add3A_302 = arith.addi %add3A_301, %convert_element_type3A_299 : vector<1x17xi32>
    %convert_element_type3A_303 = arith.sitofp %mul3A_295 : vector<1x17xi32> to vector<1x17xf32>
    %ge3A_304 = vector.broadcast %reduce_sum3A_207 : f32 to vector<1x17xf32>
    %ge3A_305 = arith.cmpf oge, %convert_element_type3A_303, %ge3A_304 : vector<1x17xf32>
    %convert_element_type3A_306 = arith.extui %ge3A_305 : vector<1x17xi1> to vector<1x17xi32>
    %add3A_307 = arith.addi %add3A_302, %convert_element_type3A_306 : vector<1x17xi32>
    %convert_element_type3A_308 = arith.sitofp %mul3A_295 : vector<1x17xi32> to vector<1x17xf32>
    %ge3A_309 = vector.broadcast %reduce_sum3A_218 : f32 to vector<1x17xf32>
    %ge3A_310 = arith.cmpf oge, %convert_element_type3A_308, %ge3A_309 : vector<1x17xf32>
    %convert_element_type3A_311 = arith.extui %ge3A_310 : vector<1x17xi1> to vector<1x17xi32>
    %add3A_312 = arith.addi %add3A_307, %convert_element_type3A_311 : vector<1x17xi32>
    %convert_element_type3A_313 = arith.sitofp %mul3A_295 : vector<1x17xi32> to vector<1x17xf32>
    %ge3A_314 = vector.broadcast %reduce_sum3A_229 : f32 to vector<1x17xf32>
    %ge3A_315 = arith.cmpf oge, %convert_element_type3A_313, %ge3A_314 : vector<1x17xf32>
    %convert_element_type3A_316 = arith.extui %ge3A_315 : vector<1x17xi1> to vector<1x17xi32>
    %add3A_317 = arith.addi %add3A_312, %convert_element_type3A_316 : vector<1x17xi32>
    %convert_element_type3A_318 = arith.sitofp %mul3A_295 : vector<1x17xi32> to vector<1x17xf32>
    %ge3A_319 = vector.broadcast %reduce_sum3A_240 : f32 to vector<1x17xf32>
    %ge3A_320 = arith.cmpf oge, %convert_element_type3A_318, %ge3A_319 : vector<1x17xf32>
    %convert_element_type3A_321 = arith.extui %ge3A_320 : vector<1x17xi1> to vector<1x17xi32>
    %add3A_322 = arith.addi %add3A_317, %convert_element_type3A_321 : vector<1x17xi32>
    %convert_element_type3A_323 = arith.sitofp %mul3A_295 : vector<1x17xi32> to vector<1x17xf32>
    %ge3A_324 = vector.broadcast %reduce_sum3A_251 : f32 to vector<1x17xf32>
    %ge3A_325 = arith.cmpf oge, %convert_element_type3A_323, %ge3A_324 : vector<1x17xf32>
    %convert_element_type3A_326 = arith.extui %ge3A_325 : vector<1x17xi1> to vector<1x17xi32>
    %add3A_327 = arith.addi %add3A_322, %convert_element_type3A_326 : vector<1x17xi32>
    %convert_element_type3A_328 = arith.sitofp %mul3A_295 : vector<1x17xi32> to vector<1x17xf32>
    %ge3A_329 = vector.broadcast %reduce_sum3A_262 : f32 to vector<1x17xf32>
    %ge3A_330 = arith.cmpf oge, %convert_element_type3A_328, %ge3A_329 : vector<1x17xf32>
    %convert_element_type3A_331 = arith.extui %ge3A_330 : vector<1x17xi1> to vector<1x17xi32>
    %add3A_332 = arith.addi %add3A_327, %convert_element_type3A_331 : vector<1x17xi32>
    %convert_element_type3A_333 = arith.sitofp %mul3A_295 : vector<1x17xi32> to vector<1x17xf32>
    %ge3A_334 = vector.broadcast %reduce_sum3A_273 : f32 to vector<1x17xf32>
    %ge3A_335 = arith.cmpf oge, %convert_element_type3A_333, %ge3A_334 : vector<1x17xf32>
    %convert_element_type3A_336 = arith.extui %ge3A_335 : vector<1x17xi1> to vector<1x17xi32>
    %add3A_337 = arith.addi %add3A_332, %convert_element_type3A_336 : vector<1x17xi32>
    %sub3A_338 = arith.constant 1 : i32
    %sub3A_339 = vector.broadcast %sub3A_338 : i32 to vector<1x17xi32>
    %sub3A_340 = arith.subi %add3A_337, %sub3A_339 : vector<1x17xi32>
    %eq3A_341 = arith.constant 0 : i32
    %eq3A_342 = vector.broadcast %eq3A_341 : i32 to vector<1x17xi32>
    %eq3A_343 = arith.cmpi eq, %iota3A_289, %eq3A_342 : vector<1x17xi32>
    %broadcast_in_dim3A_344 = vector.broadcast %convert_element_type3A_288 : i32 to vector<1x17xi32>
    %select_n3A_345 = arith.select %eq3A_343, %broadcast_in_dim3A_344, %sub3A_340 : vector<1x17xi1>, vector<1x17xi32>
    %swap3A_346 = arith.constant 0 : index
    %swap3A_347 = arith.constant 0 : index
    %swap3A_348 = vector.load %arg7[%swap3A_346, %swap3A_347] : memref<1x17xi32, #tpu.memory_space<vmem>>, vector<1x17xi32>
    tpu.vector_store %arg7[%swap3A_346, %swap3A_347], %select_n3A_345 {strides = array<i32>} : memref<1x17xi32, #tpu.memory_space<vmem>>, vector<1x17xi32>,
    return
  }
}

module attributes {stable_mosaic.version = 14 : i64} {
  func.func @_combine_body(%arg0: i32, %arg1: memref<512x1024xf32, #tpu.memory_space<vmem>>, %arg2: memref<512x512xi32, #tpu.memory_space<vmem>>, %arg3: memref<512x512xi32, #tpu.memory_space<vmem>>, %arg4: memref<512x16xf32, #tpu.memory_space<vmem>>, %arg5: memref<512x16xf32, #tpu.memory_space<vmem>>, %arg6: memref<512x1024xf32, #tpu.memory_space<vmem>>) attributes {dimension_semantics = [#tpu.dimension_semantics<arbitrary>], iteration_bounds = array<i64: 4>, scalar_prefetch = 0 : i64, scratch_operands = 0 : i64, tpu.core_type = #tpu.core_type<tc>, window_params = [{transform_indices = @transform_0, window_bounds = array<i64: 512, 1024>}, {transform_indices = @transform_1, window_bounds = array<i64: 512, 512>}, {transform_indices = @transform_2, window_bounds = array<i64: 512, 512>}, {transform_indices = @transform_3, window_bounds = array<i64: 512, 16>}, {transform_indices = @transform_4, window_bounds = array<i64: 512, 16>}, {transform_indices = @transform_5, window_bounds = array<i64: 512, 1024>}]} {
    %get3A = arith.constant 0 : index
    %get3A_0 = arith.constant 0 : index
    %get3A_1 = vector.load %arg1[%get3A, %get3A_0] : memref<512x1024xf32, #tpu.memory_space<vmem>>, vector<512x1024xf32>
    %get3A_2 = arith.constant 0 : index
    %get3A_3 = arith.constant 0 : index
    %get3A_4 = vector.load %arg4[%get3A_2, %get3A_3] : memref<512x16xf32, #tpu.memory_space<vmem>>, vector<512x16xf32>
    %slice3A = vector.extract_strided_slice %get3A_4 {offsets = [0, 0], sizes = [512, 1], strides = [1, 1]} : vector<512x16xf32> to vector<512x1xf32>
    %get3A_5 = arith.constant 0 : index
    %get3A_6 = arith.constant 0 : index
    %get3A_7 = vector.load %arg5[%get3A_5, %get3A_6] : memref<512x16xf32, #tpu.memory_space<vmem>>, vector<512x16xf32>
    %slice3A_8 = vector.extract_strided_slice %get3A_7 {offsets = [0, 0], sizes = [512, 1], strides = [1, 1]} : vector<512x16xf32> to vector<512x1xf32>
    %get3A_9 = arith.constant 0 : index
    %get3A_10 = arith.constant 0 : index
    %get3A_11 = vector.load %arg2[%get3A_9, %get3A_10] : memref<512x512xi32, #tpu.memory_space<vmem>>, vector<512x512xi32>
    %broadcast_in_dim3A = arith.constant -65536 : i32
    %broadcast_in_dim3A_12 = vector.broadcast %broadcast_in_dim3A : i32 to vector<512x512xi32>
    %bitcast3A = tpu.bitcast %get3A_11 : vector<512x512xi32> -> vector<512x512xi32>
    %shift_left3A = arith.constant 16 : i32
    %shift_left3A_13 = vector.broadcast %shift_left3A : i32 to vector<512x512xi32>
    %shift_left3A_14 = arith.shli %bitcast3A, %shift_left3A_13 : vector<512x512xi32>
    %bitcast3A_15 = tpu.bitcast %shift_left3A_14 : vector<512x512xi32> -> vector<512x512xf32>
    %and3A = arith.andi %bitcast3A, %broadcast_in_dim3A_12 : vector<512x512xi32>
    %bitcast3A_16 = tpu.bitcast %and3A : vector<512x512xi32> -> vector<512x512xf32>
    %get3A_17 = arith.constant 0 : index
    %get3A_18 = arith.constant 0 : index
    %get3A_19 = vector.load %arg3[%get3A_17, %get3A_18] : memref<512x512xi32, #tpu.memory_space<vmem>>, vector<512x512xi32>
    %broadcast_in_dim3A_20 = arith.constant -65536 : i32
    %broadcast_in_dim3A_21 = vector.broadcast %broadcast_in_dim3A_20 : i32 to vector<512x512xi32>
    %bitcast3A_22 = tpu.bitcast %get3A_19 : vector<512x512xi32> -> vector<512x512xi32>
    %shift_left3A_23 = arith.constant 16 : i32
    %shift_left3A_24 = vector.broadcast %shift_left3A_23 : i32 to vector<512x512xi32>
    %shift_left3A_25 = arith.shli %bitcast3A_22, %shift_left3A_24 : vector<512x512xi32>
    %bitcast3A_26 = tpu.bitcast %shift_left3A_25 : vector<512x512xi32> -> vector<512x512xf32>
    %and3A_27 = arith.andi %bitcast3A_22, %broadcast_in_dim3A_21 : vector<512x512xi32>
    %bitcast3A_28 = tpu.bitcast %and3A_27 : vector<512x512xi32> -> vector<512x512xf32>
    %slice3A_29 = vector.extract_strided_slice %get3A_1 {offsets = [0, 0], sizes = [512, 512], strides = [1, 1]} : vector<512x1024xf32> to vector<512x512xf32>
    %mul3A = vector.broadcast %slice3A : vector<512x1xf32> to vector<512x512xf32>
    %mul3A_30 = arith.mulf %mul3A, %bitcast3A_15 : vector<512x512xf32>
    %add3A = arith.addf %slice3A_29, %mul3A_30 : vector<512x512xf32>
    %mul3A_31 = vector.broadcast %slice3A_8 : vector<512x1xf32> to vector<512x512xf32>
    %mul3A_32 = arith.mulf %mul3A_31, %bitcast3A_26 : vector<512x512xf32>
    %add3A_33 = arith.addf %add3A, %mul3A_32 : vector<512x512xf32>
    %swap3A = arith.constant 0 : index
    %swap3A_34 = arith.constant 0 : index
    %swap3A_35 = vector.load %arg6[%swap3A, %swap3A_34] : memref<512x1024xf32, #tpu.memory_space<vmem>>, vector<512x512xf32>
    tpu.vector_store %arg6[%swap3A, %swap3A_34], %add3A_33 {strides = array<i32>} : memref<512x1024xf32, #tpu.memory_space<vmem>>, vector<512x512xf32>,
    %slice3A_36 = vector.extract_strided_slice %get3A_1 {offsets = [0, 512], sizes = [512, 512], strides = [1, 1]} : vector<512x1024xf32> to vector<512x512xf32>
    %mul3A_37 = vector.broadcast %slice3A : vector<512x1xf32> to vector<512x512xf32>
    %mul3A_38 = arith.mulf %mul3A_37, %bitcast3A_16 : vector<512x512xf32>
    %add3A_39 = arith.addf %slice3A_36, %mul3A_38 : vector<512x512xf32>
    %mul3A_40 = vector.broadcast %slice3A_8 : vector<512x1xf32> to vector<512x512xf32>
    %mul3A_41 = arith.mulf %mul3A_40, %bitcast3A_28 : vector<512x512xf32>
    %add3A_42 = arith.addf %add3A_39, %mul3A_41 : vector<512x512xf32>
    %swap3A_43 = arith.constant 0 : index
    %swap3A_44 = arith.constant 512 : index
    %swap3A_45 = vector.load %arg6[%swap3A_43, %swap3A_44] : memref<512x1024xf32, #tpu.memory_space<vmem>>, vector<512x512xf32>
    tpu.vector_store %arg6[%swap3A_43, %swap3A_44], %add3A_42 {strides = array<i32>} : memref<512x1024xf32, #tpu.memory_space<vmem>>, vector<512x512xf32>,
    return
  }
  func.func @transform_0(%arg0: i32) -> (i32, i32) {
    %c0_i32 = arith.constant 0 : i32
    %c0_i32_0 = arith.constant 0 : i32
    return %arg0, %c0_i32 : i32, i32
  }
  func.func @transform_1(%arg0: i32) -> (i32, i32) {
    %c0_i32 = arith.constant 0 : i32
    %c0_i32_0 = arith.constant 0 : i32
    return %arg0, %c0_i32 : i32, i32
  }
  func.func @transform_2(%arg0: i32) -> (i32, i32) {
    %c0_i32 = arith.constant 0 : i32
    %c0_i32_0 = arith.constant 0 : i32
    return %arg0, %c0_i32 : i32, i32
  }
  func.func @transform_3(%arg0: i32) -> (i32, i32) {
    %c0_i32 = arith.constant 0 : i32
    %c0_i32_0 = arith.constant 0 : i32
    return %arg0, %c0_i32 : i32, i32
  }
  func.func @transform_4(%arg0: i32) -> (i32, i32) {
    %c0_i32 = arith.constant 0 : i32
    %c0_i32_0 = arith.constant 0 : i32
    return %arg0, %c0_i32 : i32, i32
  }
  func.func @transform_5(%arg0: i32) -> (i32, i32) {
    %c0_i32 = arith.constant 0 : i32
    %c0_i32_0 = arith.constant 0 : i32
    return %arg0, %c0_i32 : i32, i32
  }
}

</mosaic_0001>

<sc_bundles>
// kernel: kernel.11.cloned.1.call-start
scs
__scs_entry_jumppad:
0x0: {  	(pc) =	sbr.rel $0x88, $3  }
0x1: {  	(tag) =	ssettag $0x0;
	lr =	simm.s32 $0x1  }
0x2: {  	[smem:$0x3F98] =	sst lr;
	_ =	strace $0xD0000000  }
0x3: {  	_ = 	snop  }
0x4: {  	_ = 	snop  }
0x5: {  	_ = 	snop  }
0x6: {  	_ = 	snop  }
0x7: {  	_ = 	snop  }
__scs_overlays_trampoline_lowered:
0x8: {  	[smem:$0x3FA7] =	sst s0  }
0x9: {  	[smem:$0x3FA8] =	sst s1  }
0xa: {  	[smem:$0x3FA9] =	sst s2  }
0xb: {  	[smem:$0x3FAA] =	sst s3  }
0xc: {  	[smem:$0x3FAB] =	sst s4  }
0xd: {  	[smem:$0x3FAC] =	sst s5  }
0xe: {  	[smem:$0x3FAD] =	sst s6  }
0xf: {  	[smem:$0x3FAE] =	sst s7  }
0x10: {  	[smem:$0x3FAF] =	sst s8  }
0x11: {  	[smem:$0x3FB0] =	sst s9;
	s0 =	simm.s32 @!p0 $0x0  }
0x12: {  	s1 =	sld [smem:$0x3F96];
	s0 =	simm.s32 @p0 $0x1  }
0x13: {  	[smem:$0x3FB1] =	sst s0;
	s0 =	simm.s32 @!p1 $0x0  }
0x14: {  	s2 =	sld [smem:$0x3F95];
	s0 =	simm.s32 @p1 $0x1  }
0x15: {  	[smem:$0x3FB2] =	sst s0;
	s0 =	simm.s32 @!p2 $0x0  }
0x16: {  	s3 =	sld [smem:$0x3FDB];
	s0 =	simm.s32 @p2 $0x1  }
0x17: {  	s4 =	simm.s32 $0x1BF5;
	[smem:$0x3FB4] =	sst s0  }
0x18: {  	s0 =	sld [smem:$0x3F97];
	_ =	swait.ge [sflag:s4], $0x0  }
0x19: {  	s7 =	sld [smem:$0x3F98]  }
0x1a: {  	s8 =	sadd.s32 $0xFFFFE003, lr  }
0x1b: {  	s9 =	sadd.s32 $0xFFFFFEF7, lr;
	s5 =	simm.s32 $0xFFFFFFFF;
	p2 =	slt.u32 s8, $0xFFFFF086  }
0x1c: {  	p1 =	slt.u32 s9, $0xF7A;
	s5 =	simm.s32 @!p2 $0x0  }
0x1d: {  	s5 =	simm.s32 @p1 $0x1;
	p0 =	seq.s32 s7, s2  }
0x1e: {  	s7 =	smul.u32 @!p0 $0xF7A, s2;
	p2 =	seq.s32 @!p0 s5, $0x0  }
0x1f: {  	s9 =	smul.u32 $0xF7A, s1;
	s8 =	simm.s32 @!p0 $0x1BF5;
	p2 =	por !p2, p0  }
0x20: {  	[sflag:s8] =	ssyncset.s32 @!p0 $0xFFFFF086;
	s6 =	sadd.s32 @!p0 s3, s7;
	s7 =	simm.s32 @!p0 $0x108  }
0x21: {  	s3 =	sadd.s32 s3, s9;
	s6 =	sadd.s32 @!p0 $0x88, s6;
	s7 =	simm.s32 @p2 $0x1082  }
0x22: {  	[simem:s7], [sflag:s8] =	dma.local @!p0 [hbm:s6], $0xF7A  }
0x23: {  	s9 =	sor.u32 $0xD0000000, s2;
	s6 =	simm.s32 $0x108;
	_ =	swait.ge @!p0 [sflag:s8], $0x0  }
0x24: {  	s3 =	sadd.s32 $0x88, s3;
	s6 =	simm.s32 @!p1 $0x1082;
	[sflag:s4] =	ssyncset.s32 $0xFFFFF086  }
0x25: {  	[simem:s6], [sflag:s4] =	dma.local [hbm:s3], $0xF7A  }
0x26: {  	[smem:$0x3F98] =	sst s1;
	(tag) =	ssettag s2;
	_ =	strace s9  }
0x27: {  	s1 =	sld [smem:$0x3FA8]  }
0x28: {  	s2 =	sld [smem:$0x3FA9]  }
0x29: {  	s4 =	sld [smem:$0x3FAB]  }
0x2a: {  	p0 =	seq.s32 s5, $0x0;
	s5 =	sld [smem:$0x3FAC]  }
0x2b: {  	s6 =	sld [smem:$0x3FAD]  }
0x2c: {  	s7 =	sld [smem:$0x3FAE]  }
0x2d: {  	s3 =	simm.s32 $0x108;
	s8 =	sld [smem:$0x3FAF]  }
0x2e: {  	s3 =	simm.s32 @!p0 $0x1082;
	s9 =	sld [smem:$0x3FB0]  }
0x2f: {  	lr =	sadd.s32 s0, s3;
	s0 =	sld [smem:$0x3FA7]  }
0x30: {  	s3 =	sld [smem:$0x3FAA]  }
0x31: {  	[smem:$0x3FB3] =	sst s10  }
0x32: {  	s10 =	sld [smem:$0x3FB1];
	_ =	sdelay $0x3  }
0x33: {  	p0 =	seq.s32 s10, $0x1;
	s10 =	sld [smem:$0x3FB3];
	_ =	sdelay $0x3  }
0x34: {  	[smem:$0x3FB3] =	sst s10  }
0x35: {  	s10 =	sld [smem:$0x3FB2];
	_ =	sdelay $0x3  }
0x36: {  	p1 =	seq.s32 s10, $0x1;
	s10 =	sld [smem:$0x3FB3];
	_ =	sdelay $0x3  }
0x37: {  	[smem:$0x3FB3] =	sst s10  }
0x38: {  	s10 =	sld [smem:$0x3FB4]  }
0x39: {  	_ = 	snop;
	(pc) =	sbr.ind lr, $3  }
0x3a: {  	_ = 	snop  }
0x3b: {  	_ = 	snop  }
0x3c: {  	p2 =	seq.s32 s10, $0x1;
	s10 =	sld [smem:$0x3FB3]  }
0x3d: {  	_ =	shalt  }
0x3e: {  	_ =	shalt  }
0x3f: {  	_ =	shalt  }
0x40: {  	_ =	shalt  }
0x41: {  	_ =	shalt  }
0x42: {  	_ =	shalt  }
0x43: {  	_ =	shalt  }
0x44: {  	_ =	shalt  }
0x45: {  	_ =	shalt  }
0x46: {  	_ =	shalt  }
0x47: {  	_ =	shalt  }
0x48: {  	_ =	shalt  }
0x49: {  	_ =	shalt  }
0x4a: {  	_ =	shalt  }
0x4b: {  	_ =	shalt  }
0x4c: {  	_ =	shalt  }
0x4d: {  	_ =	shalt  }
0x4e: {  	_ =	shalt  }
0x4f: {  	_ =	shalt  }
0x50: {  	_ =	shalt  }
0x51: {  	_ =	shalt  }
0x52: {  	_ =	shalt  }
0x53: {  	_ =	shalt  }
0x54: {  	_ =	shalt  }
0x55: {  	_ =	shalt  }
0x56: {  	_ =	shalt  }
0x57: {  	_ =	shalt  }
0x58: {  	_ =	shalt  }
0x59: {  	_ =	shalt  }
0x5a: {  	_ =	shalt  }
0x5b: {  	_ =	shalt  }
0x5c: {  	_ =	shalt  }
0x5d: {  	_ =	shalt  }
0x5e: {  	_ =	shalt  }
0x5f: {  	_ =	shalt  }
0x60: {  	_ =	shalt  }
0x61: {  	_ =	shalt  }
0x62: {  	_ =	shalt  }
0x63: {  	_ =	shalt  }
0x64: {  	_ =	shalt  }
0x65: {  	_ =	shalt  }
0x66: {  	_ =	shalt  }
0x67: {  	_ =	shalt  }
0x68: {  	_ =	shalt  }
0x69: {  	_ =	shalt  }
0x6a: {  	_ =	shalt  }
0x6b: {  	_ =	shalt  }
0x6c: {  	_ =	shalt  }
0x6d: {  	_ =	shalt  }
0x6e: {  	_ =	shalt  }
0x6f: {  	_ =	shalt  }
0x70: {  	_ =	shalt  }
0x71: {  	_ =	shalt  }
0x72: {  	_ =	shalt  }
0x73: {  	_ =	shalt  }
0x74: {  	_ =	shalt  }
0x75: {  	_ =	shalt  }
0x76: {  	_ =	shalt  }
0x77: {  	_ =	shalt  }
0x78: {  	_ =	shalt  }
0x79: {  	_ =	shalt  }
0x7a: {  	_ =	shalt  }
0x7b: {  	_ =	shalt  }
0x7c: {  	_ =	shalt  }
0x7d: {  	_ =	shalt  }
0x7e: {  	_ =	shalt  }
0x7f: {  	_ =	shalt  }
0x80: {  	_ =	shalt  }
0x81: {  	_ =	shalt  }
0x82: {  	_ =	shalt  }
0x83: {  	_ =	shalt  }
0x84: {  	_ =	shalt  }
0x85: {  	_ =	shalt  }
0x86: {  	_ =	shalt  }
0x87: {  	_ =	shalt  }
.Lfunc_end0:
.L_simem_size_0:
called_computation.1_lowered:
.L_overlay_start_0:
0x88: {  	s2 =	sld [smem:$0x3FD9]  }
0x89: {  	s3 =	sld [smem:$0x3FFE];
	_ =	sdelay $0x1  }
0x8a: {  	s1 =	srdreg.scid  }
0x8b: {  	s0 =	sand.u32 $0x1, s1  }
0x8c: {  	s16 =	sshll.u32 s0, $0xA;
	s2 =	sadd.s32 s3, s2  }
0x8d: {  	s2 =	sadd.s32 s2, s16  }
0x8e: {  	[smem:$0x3FBF] =	sst s2  }
0x8f: {  	_ = 	snop  }
0x90: {  	(tm) =	ssettm $0x1  }
0x91: {  	s17 =	sld [smem:$0x3FFB];
	_ =	sdelay $0x3  }
0x92: {  	_ =	strace s17  }
0x93: {  	s2 =	sld [smem:$0x3FFC];
	_ =	sdelay $0x3  }
0x94: {  	_ =	strace s2  }
0x95: {  	s2 =	sld [smem:$0x3FFD];
	_ =	sdelay $0x3  }
0x96: {  	_ =	strace s2  }
0x97: {  	_ =	strace $0x8FFFFFFF  }
0x98: {  	s18 =	sld [smem:$0x3FDB];
	_ =	sdelay $0x1  }
0x99: {  	s19 =	simm.s32 $_scs_section_size  }
0x9a: {  	s4 =	simm.s32 $_size__tile_overlayer_lowered;
	s5 =	simm.s32 $_tile_overlayer_lowered  }
0x9b: {  	s22 =	simm.s32 $0x1BFF;
	s21 =	sshll.u32 s5, $0x1;
	s2 =	sadd.s32 s19, s18  }
0x9c: {  	s6 =	simm.s32 $0x0;
	s20 =	sshll.u32 s4, $0x1;
	s4 =	sadd.s32 s21, s2  }
0x9d: {  	[timem:s6], [sflag:s22] =	dma.local [hbm:s4], s20  }
0x9e: {  	_ =	swait.ge [sflag:s22], s20  }
0x9f: {  	s3 =	ssub.s32 $0x0, s20;
	[sflag:s22] =	ssyncset.done $0x0  }
0xa0: {  	[sflag:s22] =	ssyncadd.s32 s3;
	_ =	sdelay $0x1  }
0xa1: {  	s23 =	simm.s32 $0x1B8B  }
0xa2: {  	_ =	swait.ge [sflag:s23], $0x1  }
0xa3: {  	[sflag:s23] =	ssyncset.done $0x0  }
0xa4: {  	s25 =	simm.s32 $0x1B8E;
	s24 =	sld [smem:$0x3FFE];
	[sflag:s23] =	ssyncadd.s32 $0xFFFFFFFF  }
0xa5: {  	s26 =	simm.s32 $execute0_lowered;
	[smem:$0x3FD2] =	sst s25  }
0xa6: {  	s4 =	sshll.u32 s26, $0x1;
	_ =	strace $0x80000049;
	[dreg:$0x1] =	wrdreg $0xFFFFFFFF  }
0xa7: {  	s28 =	simm.s32 $_size_execute0_lowered;
	s2 =	sadd.s32 s2, s4;
	[dreg:$0x0] =	wrdreg $0x0  }
0xa8: {  	s4 =	sshll.u32 s28, $0x1;
	[dreg:$0x2] =	wrdreg s2  }
0xa9: {  	[dreg:$0x3] =	wrdreg s4  }
0xaa: {  	[dreg:$0x4] =	wrdreg $0xC0  }
0xab: {  	_ =	task [dreg:s6], $0x5FFFF  }
0xac: {  	[dreg:$0x1] =	wrdreg $0xFFFFFFFF  }
0xad: {  	[dreg:$0x0] =	wrdreg $0x60  }
0xae: {  	[dreg:$0x2] =	wrdreg s24  }
0xaf: {  	[dreg:$0x3] =	wrdreg $0x9  }
0xb0: {  	_ =	task.clear_ibuf [dreg:s6], $0x4FFFF;
	_ =	strace $0x90000049  }
0xb1: {  	s29 =	simm.s32 $0x9;
	_ =	strace $0x8000004B  }
0xb2: {  	_ =	swait.ge [sflag:s29], $0x1  }
0xb3: {  	[sflag:s29] =	ssyncadd.s32 $0xFFFFFFFF  }
0xb4: {  	_ =	strace $0x9000004B  }
0xb5: {  	_ =	sfence  }
0xb6: {  	s30 =	sld [smem:$0x0];
	_ =	sdelay $0x2  }
0xb7: {  	s31 =	sshll.u32 s1, $0xD;
	s1 =	sshrl.u32 s1, $0x2  }
0xb8: {  	s3 =	sand.u32 $0x4000, s31;
	s1 =	sadd.s32 s1, s30  }
0xb9: {  	s0 =	sor.u32 s3, s0;
	s1 =	sshll.u32 s1, $0x11  }
0xba: {  	s0 =	sor.u32 s1, s0  }
0xbb: {  	s0 =	sadd.s32 $0x8F2B, s0  }
0xbc: {  	[sflag:s0] =	ssyncadd.remote.s32 $0x1  }
0xbd: {  	_ =	sfence.sel $0xFFFF  }
0xbe: {  	[dreg:$0x0] =	wrdreg $0xFFFFFFFF;
	(pc) =	sbr.abs _section_cstart, $3  }
0xbf: {  	[dreg:$0x1] =	wrdreg $0xFFFFFFFF  }
0xc0: {  	_ =	task.clear_ibuf [dreg:s6], $0x2FFFF;
	_ =	strace $0x9FFFFFFF  }
0xc1: {  	(tm) =	ssettm $0x7FFFFFFF  }
tec
execute0_lowered:
.L_overlay_start_1:
0x0: {  	(tag) =	ssettag $0x1  }
0x1: {  	s1 =	srdreg.scid  }
0x2: {  	s0 =	stileid.u32;
	s4 =	rddreg [dreg:$0x0]  }
0x3: {  	s17 =	simm.s32 $0x10000;
	s18 =	simm.s32 $0x10080;
	s19 =	simm.s32 $0x800  }
0x4: {  	s20 =	simm.s32 $0x1000;
	s21 =	simm.s32 $0x1800;
	s23 =	simm.s32 $0x2000  }
0x5: {  	s24 =	simm.s32 $0x2800;
	s25 =	simm.s32 $0x3000;
	s1 =	sand.u32 $0x1, s1  }
0x6: {  	s26 =	simm.s32 $0x3800;
	s2 =	sshll.u32 s0, $0x7;
	s3 =	sshll.u32 s1, $0x6  }
0x7: {  	s7 =	simm.s32 $0x2;
	s3 =	sor.u32 s3, s2;
	s2 =	simm.s32 $0x0  }
0x8: {  	s11 =	simm.s32 $0x5800;
	s12 =	simm.s32 $0x6000;
	[smem:$0x7FF] =	sst s2  }
0x9: {  	s13 =	simm.s32 $0x6800;
	_ =	strace $0x8000004A;
	[dreg:$0x6] =	wrdreg s17  }
0xa: {  	s14 =	simm.s32 $0x7000;
	s15 =	simm.s32 $0x7800;
	[dreg:$0x7] =	wrdreg s18  }
0xb: {  	s28 =	simm.s32 $0xD800;
	s29 =	simm.s32 $0xE000;
	[dreg:$0x8] =	wrdreg s19  }
0xc: {  	s30 =	simm.s32 $0xE800;
	s1 =	ssub.s32 $0x2, s1;
	[dreg:$0x9] =	wrdreg s20  }
0xd: {  	s31 =	simm.s32 $0xF000;
	s22 =	sshrl.u32 s1, $0x1;
	[dreg:$0xa] =	wrdreg s21  }
0xe: {  	s5 =	sshrl.u32 s3, $0x3;
	s3 =	sshll.u32 s3, $0x6;
	[dreg:$0xb] =	wrdreg s23  }
0xf: {  	s1 =	ssub.s32 s1, s22;
	s22 =	simm.s32 $0xB000;
	[dreg:$0xc] =	wrdreg s24  }
0x10: {  	s5 =	sadd.s32 s5, s4;
	s3 =	sadd.s32 s3, s4;
	[dreg:$0xd] =	wrdreg s25  }
0x11: {  	[dreg:$0xe] =	wrdreg s26;
	s17 =	simm.s32 $0x8800;
	s18 =	simm.s32 $0x9000  }
0x12: {  	s19 =	simm.s32 $0x9800;
	s20 =	simm.s32 $0xA000;
	s6 =	sadd.s32 $0x2800, s5  }
0x13: {  	s21 =	simm.s32 $0xA800;
	s5 =	sadd.s32 $0x2A00, s5;
	[dreg:$0x2] =	wrdreg s6  }
0x14: {  	s23 =	simm.s32 $0xB800;
	s16 =	sadd.s32 $0x82C00, s3;
	[dreg:$0x3] =	wrdreg s5  }
0x15: {  	s24 =	simm.s32 $0xC000;
	s3 =	sadd.s32 $0xA2C00, s3;
	[dreg:$0x4] =	wrdreg s16  }
0x16: {  	v2 =	vlaneseq.u32;
	s25 =	simm.s32 $0xC800;
	s26 =	simm.s32 $0xD000;
	[dreg:$0x5] =	wrdreg s3  }
0x17: {  	vm0 =	vmmov $0xffff;
	v1 =	vshrl.u32 v2, $0x3;
	s3 =	sadd.s32 $0x2C00, s4;
	s4 =	sadd.s32 $0x2D00, s4;
	s5 =	smax.u32 s1, $0x1  }
0x18: {  	v0 =	vand.u32 $0x7, v2;
	v2 =	vor.u32 $0x8, v2;
	v1 =	vmul.u32 $0x8, v1;
	s6 =	simm.s32 $0x1;
	s16 =	simm.s32 $0x8000;
	s1 =	simm.s32 $0xF800  }
.LBB2_1:
0x19: {  	s0 =	rddreg [dreg:$0x2]  }
0x1a: {  	s8 =	rddreg [dreg:$0x6]  }
0x1b: {  	s9 =	rddreg [dreg:$0x3]  }
0x1c: {  	[tilespmem:s8], [sflag:$0x1] =	stream.linear.gather [hbm4b:s0+s2], $0x40, $0x38;
	[tilespmem:$0x10100] =	vst v63  }
0x1d: {  	s10 =	rddreg [dreg:$0x7]  }
0x1e: {  	[tilespmem:s10], [sflag:$0x2] =	stream.linear.gather [hbm4b:s9+s2], $0x40, $0x38;
	[tilespmem:$0x10100] =	vst v63  }
0x1f: {  	_ =	swait.ge [sflag:s6], $0x40  }
0x20: {  	[sflag:s6] =	ssyncset.done $0x0  }
0x21: {  	[sflag:s6] =	ssyncadd.s32 $0xFFFFFFC0  }
0x22: {  	_ =	swait.ge [sflag:s7], $0x40  }
0x23: {  	[sflag:s7] =	ssyncset.done $0x0  }
0x24: {  	[sflag:s7] =	ssyncadd.s32 $0xFFFFFFC0  }
0x25: {  	v3 =	vld [tilespmem:$0x10000];
	_ =	sdelay $0x4  }
0x26: {  	v4 =	vshll.u32 v3, $0x2  }
0x27: {  	v3 =	vand.u32 $0x7, v3;
	v4 =	vand.u32 $0xFFFFFFE0, v4  }
0x28: {  	v3 =	vor.u32 v3, v4  }
0x29: {  	v4 =	vperm.xlane v3, v0;
	_ =	sdelay $0x1  }
0x2a: {  	v4 =	vadd.s32 v1, v4;
	_ =	sdelay $0x1  }
0x2b: {  	v3 =	vperm.xlane v3, v2;
	_ =	sdelay $0x1  }
0x2c: {  	v3 =	vadd.s32 v1, v3  }
0x2d: {  	[tilespmem:s2], [sflag:$0x1] =	stream.indirect_vreg.gather [hbm4b:s3+s2], $0x80, v4, vm0, $0xb8;
	[tilespmem:$0x10100] =	vst v63  }
0x2e: {  	s8 =	rddreg [dreg:$0x8]  }
0x2f: {  	[tilespmem:s8], [sflag:$0x1] =	stream.indirect_vreg.gather [hbm4b:s4+s2], $0x80, v4, vm0, $0xb8;
	[tilespmem:$0x10100] =	vst v63  }
0x30: {  	s9 =	rddreg [dreg:$0x9]  }
0x31: {  	[tilespmem:s9], [sflag:$0x1] =	stream.indirect_vreg.gather [hbm4b:s3+s2], $0x80, v3, vm0, $0xb8;
	[tilespmem:$0x10100] =	vst v63  }
0x32: {  	s10 =	rddreg [dreg:$0xa]  }
0x33: {  	[tilespmem:s10], [sflag:$0x1] =	stream.indirect_vreg.gather [hbm4b:s4+s2], $0x80, v3, vm0, $0xb8;
	[tilespmem:$0x10100] =	vst v63  }
0x34: {  	v3 =	vld [tilespmem:$0x10010];
	_ =	sdelay $0x4  }
0x35: {  	v57 =	vshll.u32 v3, $0x2  }
0x36: {  	v3 =	vand.u32 $0x7, v3;
	v4 =	vand.u32 $0xFFFFFFE0, v57  }
0x37: {  	v3 =	vor.u32 v3, v4  }
0x38: {  	v4 =	vperm.xlane v3, v0;
	_ =	sdelay $0x1  }
0x39: {  	v4 =	vadd.s32 v1, v4;
	_ =	sdelay $0x1  }
0x3a: {  	v3 =	vperm.xlane v3, v2;
	_ =	sdelay $0x1  }
0x3b: {  	s9 =	rddreg [dreg:$0xb];
	v3 =	vadd.s32 v1, v3  }
0x3c: {  	[tilespmem:s9], [sflag:$0x1] =	stream.indirect_vreg.gather [hbm4b:s3+s2], $0x80, v4, vm0, $0xb8;
	[tilespmem:$0x10100] =	vst v63  }
0x3d: {  	s10 =	rddreg [dreg:$0xc]  }
0x3e: {  	[tilespmem:s10], [sflag:$0x1] =	stream.indirect_vreg.gather [hbm4b:s4+s2], $0x80, v4, vm0, $0xb8;
	[tilespmem:$0x10100] =	vst v63  }
0x3f: {  	s9 =	rddreg [dreg:$0xd]  }
0x40: {  	[tilespmem:s9], [sflag:$0x1] =	stream.indirect_vreg.gather [hbm4b:s3+s2], $0x80, v3, vm0, $0xb8;
	[tilespmem:$0x10100] =	vst v63  }
0x41: {  	s10 =	rddreg [dreg:$0xe]  }
0x42: {  	[tilespmem:s10], [sflag:$0x1] =	stream.indirect_vreg.gather [hbm4b:s4+s2], $0x80, v3, vm0, $0xb8;
	[tilespmem:$0x10100] =	vst v63  }
0x43: {  	v3 =	vld [tilespmem:$0x10020];
	_ =	sdelay $0x4  }
0x44: {  	v58 =	vshll.u32 v3, $0x2  }
0x45: {  	v3 =	vand.u32 $0x7, v3;
	v4 =	vand.u32 $0xFFFFFFE0, v58  }
0x46: {  	v3 =	vor.u32 v3, v4  }
0x47: {  	v4 =	vperm.xlane v3, v0;
	_ =	sdelay $0x1  }
0x48: {  	v4 =	vadd.s32 v1, v4;
	_ =	sdelay $0x1  }
0x49: {  	v3 =	vperm.xlane v3, v2;
	_ =	sdelay $0x1  }
0x4a: {  	s9 =	simm.s32 $0x4000;
	v3 =	vadd.s32 v1, v3  }
0x4b: {  	[tilespmem:s9], [sflag:$0x1] =	stream.indirect_vreg.gather [hbm4b:s3+s2], $0x80, v4, vm0, $0xb8;
	[tilespmem:$0x10100] =	vst v63  }
0x4c: {  	s10 =	simm.s32 $0x4800  }
0x4d: {  	[tilespmem:s10], [sflag:$0x1] =	stream.indirect_vreg.gather [hbm4b:s4+s2], $0x80, v4, vm0, $0xb8;
	[tilespmem:$0x10100] =	vst v63  }
0x4e: {  	s8 =	simm.s32 $0x5000  }
0x4f: {  	[tilespmem:s8], [sflag:$0x1] =	stream.indirect_vreg.gather [hbm4b:s3+s2], $0x80, v3, vm0, $0xb8;
	[tilespmem:$0x10100] =	vst v63  }
0x50: {  	_ = 	snop  }
0x51: {  	[tilespmem:s11], [sflag:$0x1] =	stream.indirect_vreg.gather [hbm4b:s4+s2], $0x80, v3, vm0, $0xb8;
	[tilespmem:$0x10100] =	vst v63  }
0x52: {  	v3 =	vld [tilespmem:$0x10030];
	_ =	sdelay $0x4  }
0x53: {  	v59 =	vshll.u32 v3, $0x2  }
0x54: {  	v3 =	vand.u32 $0x7, v3;
	v4 =	vand.u32 $0xFFFFFFE0, v59  }
0x55: {  	v3 =	vor.u32 v3, v4  }
0x56: {  	v4 =	vperm.xlane v3, v0;
	_ =	sdelay $0x1  }
0x57: {  	v4 =	vadd.s32 v1, v4;
	_ =	sdelay $0x1  }
0x58: {  	v3 =	vperm.xlane v3, v2;
	_ =	sdelay $0x1  }
0x59: {  	v3 =	vadd.s32 v1, v3  }
0x5a: {  	[tilespmem:s12], [sflag:$0x1] =	stream.indirect_vreg.gather [hbm4b:s3+s2], $0x80, v4, vm0, $0xb8;
	[tilespmem:$0x10100] =	vst v63  }
0x5b: {  	_ = 	snop  }
0x5c: {  	[tilespmem:s13], [sflag:$0x1] =	stream.indirect_vreg.gather [hbm4b:s4+s2], $0x80, v4, vm0, $0xb8;
	[tilespmem:$0x10100] =	vst v63  }
0x5d: {  	_ = 	snop  }
0x5e: {  	[tilespmem:s14], [sflag:$0x1] =	stream.indirect_vreg.gather [hbm4b:s3+s2], $0x80, v3, vm0, $0xb8;
	[tilespmem:$0x10100] =	vst v63  }
0x5f: {  	_ = 	snop  }
0x60: {  	[tilespmem:s15], [sflag:$0x1] =	stream.indirect_vreg.gather [hbm4b:s4+s2], $0x80, v3, vm0, $0xb8;
	[tilespmem:$0x10100] =	vst v63  }
0x61: {  	v3 =	vld [tilespmem:$0x10080];
	_ =	sdelay $0x4  }
0x62: {  	v60 =	vshll.u32 v3, $0x2  }
0x63: {  	v3 =	vand.u32 $0x7, v3;
	v4 =	vand.u32 $0xFFFFFFE0, v60  }
0x64: {  	v3 =	vor.u32 v3, v4  }
0x65: {  	v4 =	vperm.xlane v3, v0;
	_ =	sdelay $0x1  }
0x66: {  	v4 =	vadd.s32 v1, v4;
	_ =	sdelay $0x1  }
0x67: {  	v3 =	vperm.xlane v3, v2;
	_ =	sdelay $0x1  }
0x68: {  	v3 =	vadd.s32 v1, v3  }
0x69: {  	[tilespmem:s16], [sflag:$0x2] =	stream.indirect_vreg.gather [hbm4b:s3+s2], $0x80, v4, vm0, $0xb8;
	[tilespmem:$0x10100] =	vst v63  }
0x6a: {  	_ = 	snop  }
0x6b: {  	[tilespmem:s17], [sflag:$0x2] =	stream.indirect_vreg.gather [hbm4b:s4+s2], $0x80, v4, vm0, $0xb8;
	[tilespmem:$0x10100] =	vst v63  }
0x6c: {  	_ = 	snop  }
0x6d: {  	[tilespmem:s18], [sflag:$0x2] =	stream.indirect_vreg.gather [hbm4b:s3+s2], $0x80, v3, vm0, $0xb8;
	[tilespmem:$0x10100] =	vst v63  }
0x6e: {  	_ = 	snop  }
0x6f: {  	[tilespmem:s19], [sflag:$0x2] =	stream.indirect_vreg.gather [hbm4b:s4+s2], $0x80, v3, vm0, $0xb8;
	[tilespmem:$0x10100] =	vst v63  }
0x70: {  	v3 =	vld [tilespmem:$0x10090];
	_ =	sdelay $0x4  }
0x71: {  	v61 =	vshll.u32 v3, $0x2  }
0x72: {  	v3 =	vand.u32 $0x7, v3;
	v4 =	vand.u32 $0xFFFFFFE0, v61  }
0x73: {  	v3 =	vor.u32 v3, v4  }
0x74: {  	v4 =	vperm.xlane v3, v0;
	_ =	sdelay $0x1  }
0x75: {  	v4 =	vadd.s32 v1, v4;
	_ =	sdelay $0x1  }
0x76: {  	v3 =	vperm.xlane v3, v2;
	_ =	sdelay $0x1  }
0x77: {  	v3 =	vadd.s32 v1, v3  }
0x78: {  	[tilespmem:s20], [sflag:$0x2] =	stream.indirect_vreg.gather [hbm4b:s3+s2], $0x80, v4, vm0, $0xb8;
	[tilespmem:$0x10100] =	vst v63  }
0x79: {  	_ = 	snop  }
0x7a: {  	[tilespmem:s21], [sflag:$0x2] =	stream.indirect_vreg.gather [hbm4b:s4+s2], $0x80, v4, vm0, $0xb8;
	[tilespmem:$0x10100] =	vst v63  }
0x7b: {  	_ = 	snop  }
0x7c: {  	[tilespmem:s22], [sflag:$0x2] =	stream.indirect_vreg.gather [hbm4b:s3+s2], $0x80, v3, vm0, $0xb8;
	[tilespmem:$0x10100] =	vst v63  }
0x7d: {  	_ = 	snop  }
0x7e: {  	[tilespmem:s23], [sflag:$0x2] =	stream.indirect_vreg.gather [hbm4b:s4+s2], $0x80, v3, vm0, $0xb8;
	[tilespmem:$0x10100] =	vst v63  }
0x7f: {  	v3 =	vld [tilespmem:$0x100A0];
	_ =	sdelay $0x4  }
0x80: {  	v62 =	vshll.u32 v3, $0x2  }
0x81: {  	v3 =	vand.u32 $0x7, v3;
	v4 =	vand.u32 $0xFFFFFFE0, v62  }
0x82: {  	v3 =	vor.u32 v3, v4  }
0x83: {  	v4 =	vperm.xlane v3, v0;
	_ =	sdelay $0x1  }
0x84: {  	v4 =	vadd.s32 v1, v4;
	_ =	sdelay $0x1  }
0x85: {  	v3 =	vperm.xlane v3, v2;
	_ =	sdelay $0x1  }
0x86: {  	v3 =	vadd.s32 v1, v3  }
0x87: {  	[tilespmem:s24], [sflag:$0x2] =	stream.indirect_vreg.gather [hbm4b:s3+s2], $0x80, v4, vm0, $0xb8;
	[tilespmem:$0x10100] =	vst v63  }
0x88: {  	_ = 	snop  }
0x89: {  	[tilespmem:s25], [sflag:$0x2] =	stream.indirect_vreg.gather [hbm4b:s4+s2], $0x80, v4, vm0, $0xb8;
	[tilespmem:$0x10100] =	vst v63  }
0x8a: {  	_ = 	snop  }
0x8b: {  	[tilespmem:s26], [sflag:$0x2] =	stream.indirect_vreg.gather [hbm4b:s3+s2], $0x80, v3, vm0, $0xb8;
	[tilespmem:$0x10100] =	vst v63  }
0x8c: {  	_ = 	snop  }
0x8d: {  	[tilespmem:s28], [sflag:$0x2] =	stream.indirect_vreg.gather [hbm4b:s4+s2], $0x80, v3, vm0, $0xb8;
	[tilespmem:$0x10100] =	vst v63  }
0x8e: {  	v3 =	vld [tilespmem:$0x100B0];
	_ =	sdelay $0x4  }
0x8f: {  	v63 =	vshll.u32 v3, $0x2  }
0x90: {  	v3 =	vand.u32 $0x7, v3;
	v4 =	vand.u32 $0xFFFFFFE0, v63  }
0x91: {  	v3 =	vor.u32 v3, v4  }
0x92: {  	v4 =	vperm.xlane v3, v0;
	_ =	sdelay $0x1  }
0x93: {  	v4 =	vadd.s32 v1, v4;
	_ =	sdelay $0x1  }
0x94: {  	v3 =	vperm.xlane v3, v2;
	_ =	sdelay $0x1  }
0x95: {  	v3 =	vadd.s32 v1, v3  }
0x96: {  	[tilespmem:s29], [sflag:$0x2] =	stream.indirect_vreg.gather [hbm4b:s3+s2], $0x80, v4, vm0, $0xb8;
	[tilespmem:$0x10100] =	vst v63  }
0x97: {  	_ = 	snop  }
0x98: {  	[tilespmem:s30], [sflag:$0x2] =	stream.indirect_vreg.gather [hbm4b:s4+s2], $0x80, v4, vm0, $0xb8;
	[tilespmem:$0x10100] =	vst v63  }
0x99: {  	_ = 	snop  }
0x9a: {  	[tilespmem:s31], [sflag:$0x2] =	stream.indirect_vreg.gather [hbm4b:s3+s2], $0x80, v3, vm0, $0xb8;
	[tilespmem:$0x10100] =	vst v63  }
0x9b: {  	_ = 	snop  }
0x9c: {  	[tilespmem:s1], [sflag:$0x2] =	stream.indirect_vreg.gather [hbm4b:s4+s2], $0x80, v3, vm0, $0xb8;
	[tilespmem:$0x10100] =	vst v63  }
0x9d: {  	_ =	swait.ge [sflag:s6], $0x8000  }
0x9e: {  	[sflag:s6] =	ssyncset.done $0x0  }
0x9f: {  	s9 =	rddreg [dreg:$0x4];
	[sflag:s6] =	ssyncadd.s32 $0xFFFF8000  }
0xa0: {  	[hbm4b:s9+s2] =	stream.linear.scatter [tilespmem:s2], [sflag:$0x1], $0x8000, $0x38;
	[tilespmem:$0x10100] =	vst v63  }
0xa1: {  	_ =	swait.ge [sflag:s7], $0x8000  }
0xa2: {  	[sflag:s7] =	ssyncset.done $0x0  }
0xa3: {  	s10 =	rddreg [dreg:$0x5];
	[sflag:s7] =	ssyncadd.s32 $0xFFFF8000  }
0xa4: {  	[hbm4b:s10+s2] =	stream.linear.scatter [tilespmem:s16], [sflag:$0x2], $0x8000, $0x38;
	[tilespmem:$0x10100] =	vst v63  }
0xa5: {  	p0 =	sne.s32 s5, $0x1;
	_ =	swait.ge [sflag:s6], $0x8000  }
.Ltmp0:
0xa6: {  	[sflag:s6] =	ssyncset.done $0x0;
	(pc) =	sbr.rel @p0 .LBB2_1-.Ltmp0, $4  }
0xa7: {  	[sflag:s6] =	ssyncadd.s32 $0xFFFF8000  }
0xa8: {  	_ =	swait.ge [sflag:s7], $0x8000  }
0xa9: {  	[sflag:s7] =	ssyncset.done $0x0  }
0xaa: {  	s5 =	sadd.s32 $0xFFFFFFFF, s5;
	[sflag:s7] =	ssyncadd.s32 $0xFFFF8000  }
0xab: {  	_ =	sfence.sel $0x180000  }
0xac: {  	[bflag:$0x0] =	sbarrier.arrive $0xFFFF  }
0xad: {  	_ =	strace $0x9000004A  }
0xae: {  	s0 =	stileid.u32;
	[bflag:$0x2] =	sbarrier.arrive $0xFFFF  }
0xaf: {  	p0 =	sne.s32 s0, $0x0;
	s0 =	rddreg [dreg:$0x1]  }
0xb0: {  	s0 =	sadd.s32 @!p0 $0x100000, s0  }
0xb1: {  	[sflag:s0] =	ssyncadd.tile.s32 @!p0 $0x1;
	_ =	shalt  }
.Lfunc_end2:
_tile_overlayer_lowered:
.L_overlay_start_2:
0xb2: {  	(tag) =	ssettag $0x2  }
0xb3: {  	s0 =	rddreg [dreg:$0x0];
	s2 =	stileid.u32  }
0xb4: {  	s1 =	rddreg [dreg:$0x1];
	p0 =	sne.s32 s2, $0x0  }
0xb5: {  	s3 =	rddreg [dreg:$0x2];
	[bflag:$0x3] =	sbarrier.arrive $0xFFFF;
	s2 =	simm.s32 @!p0 $0x1C03  }
0xb6: {  	[timem:s3], [sflag:s2] =	dma.local @!p0 [hbm:s0], s1  }
0xb7: {  	s0 =	simm.s32 @!p0 $0x3  }
0xb8: {  	_ =	swait.ge @!p0 [sflag:s0], s1  }
0xb9: {  	s1 =	ssub.s32 @!p0 $0x0, s1;
	[sflag:s0] =	ssyncset.done @!p0 $0x0  }
0xba: {  	[sflag:s0] =	ssyncadd.s32 @!p0 s1  }
0xbb: {  	[bflag:$0x3] =	sbarrier.arrive $0xFFFF  }
0xbc: {  	_ =	shalt  }

// kernel: kernel.8.cloned.1.call-start
scs
__scs_entry_jumppad:
0x0: {  	(pc) =	sbr.rel $0x88, $3  }
0x1: {  	(tag) =	ssettag $0x0;
	lr =	simm.s32 $0x1  }
0x2: {  	[smem:$0x3F98] =	sst lr;
	_ =	strace $0xD0000000  }
0x3: {  	_ = 	snop  }
0x4: {  	_ = 	snop  }
0x5: {  	_ = 	snop  }
0x6: {  	_ = 	snop  }
0x7: {  	_ = 	snop  }
__scs_overlays_trampoline_lowered:
0x8: {  	[smem:$0x3FA7] =	sst s0  }
0x9: {  	[smem:$0x3FA8] =	sst s1  }
0xa: {  	[smem:$0x3FA9] =	sst s2  }
0xb: {  	[smem:$0x3FAA] =	sst s3  }
0xc: {  	[smem:$0x3FAB] =	sst s4  }
0xd: {  	[smem:$0x3FAC] =	sst s5  }
0xe: {  	[smem:$0x3FAD] =	sst s6  }
0xf: {  	[smem:$0x3FAE] =	sst s7  }
0x10: {  	[smem:$0x3FAF] =	sst s8  }
0x11: {  	[smem:$0x3FB0] =	sst s9;
	s0 =	simm.s32 @!p0 $0x0  }
0x12: {  	s1 =	sld [smem:$0x3F96];
	s0 =	simm.s32 @p0 $0x1  }
0x13: {  	[smem:$0x3FB1] =	sst s0;
	s0 =	simm.s32 @!p1 $0x0  }
0x14: {  	s2 =	sld [smem:$0x3F95];
	s0 =	simm.s32 @p1 $0x1  }
0x15: {  	[smem:$0x3FB2] =	sst s0;
	s0 =	simm.s32 @!p2 $0x0  }
0x16: {  	s3 =	sld [smem:$0x3FDB];
	s0 =	simm.s32 @p2 $0x1  }
0x17: {  	s4 =	simm.s32 $0x1BF5;
	[smem:$0x3FB4] =	sst s0  }
0x18: {  	s0 =	sld [smem:$0x3F97];
	_ =	swait.ge [sflag:s4], $0x0  }
0x19: {  	s7 =	sld [smem:$0x3F98]  }
0x1a: {  	s8 =	sadd.s32 $0xFFFFE003, lr  }
0x1b: {  	s9 =	sadd.s32 $0xFFFFFEF7, lr;
	s5 =	simm.s32 $0xFFFFFFFF;
	p2 =	slt.u32 s8, $0xFFFFF086  }
0x1c: {  	p1 =	slt.u32 s9, $0xF7A;
	s5 =	simm.s32 @!p2 $0x0  }
0x1d: {  	s5 =	simm.s32 @p1 $0x1;
	p0 =	seq.s32 s7, s2  }
0x1e: {  	s7 =	smul.u32 @!p0 $0xF7A, s2;
	p2 =	seq.s32 @!p0 s5, $0x0  }
0x1f: {  	s9 =	smul.u32 $0xF7A, s1;
	s8 =	simm.s32 @!p0 $0x1BF5;
	p2 =	por !p2, p0  }
0x20: {  	[sflag:s8] =	ssyncset.s32 @!p0 $0xFFFFF086;
	s6 =	sadd.s32 @!p0 s3, s7;
	s7 =	simm.s32 @!p0 $0x108  }
0x21: {  	s3 =	sadd.s32 s3, s9;
	s6 =	sadd.s32 @!p0 $0x88, s6;
	s7 =	simm.s32 @p2 $0x1082  }
0x22: {  	[simem:s7], [sflag:s8] =	dma.local @!p0 [hbm:s6], $0xF7A  }
0x23: {  	s9 =	sor.u32 $0xD0000000, s2;
	s6 =	simm.s32 $0x108;
	_ =	swait.ge @!p0 [sflag:s8], $0x0  }
0x24: {  	s3 =	sadd.s32 $0x88, s3;
	s6 =	simm.s32 @!p1 $0x1082;
	[sflag:s4] =	ssyncset.s32 $0xFFFFF086  }
0x25: {  	[simem:s6], [sflag:s4] =	dma.local [hbm:s3], $0xF7A  }
0x26: {  	[smem:$0x3F98] =	sst s1;
	(tag) =	ssettag s2;
	_ =	strace s9  }
0x27: {  	s1 =	sld [smem:$0x3FA8]  }
0x28: {  	s2 =	sld [smem:$0x3FA9]  }
0x29: {  	s4 =	sld [smem:$0x3FAB]  }
0x2a: {  	p0 =	seq.s32 s5, $0x0;
	s5 =	sld [smem:$0x3FAC]  }
0x2b: {  	s6 =	sld [smem:$0x3FAD]  }
0x2c: {  	s7 =	sld [smem:$0x3FAE]  }
0x2d: {  	s3 =	simm.s32 $0x108;
	s8 =	sld [smem:$0x3FAF]  }
0x2e: {  	s3 =	simm.s32 @!p0 $0x1082;
	s9 =	sld [smem:$0x3FB0]  }
0x2f: {  	lr =	sadd.s32 s0, s3;
	s0 =	sld [smem:$0x3FA7]  }
0x30: {  	s3 =	sld [smem:$0x3FAA]  }
0x31: {  	[smem:$0x3FB3] =	sst s10  }
0x32: {  	s10 =	sld [smem:$0x3FB1];
	_ =	sdelay $0x3  }
0x33: {  	p0 =	seq.s32 s10, $0x1;
	s10 =	sld [smem:$0x3FB3];
	_ =	sdelay $0x3  }
0x34: {  	[smem:$0x3FB3] =	sst s10  }
0x35: {  	s10 =	sld [smem:$0x3FB2];
	_ =	sdelay $0x3  }
0x36: {  	p1 =	seq.s32 s10, $0x1;
	s10 =	sld [smem:$0x3FB3];
	_ =	sdelay $0x3  }
0x37: {  	[smem:$0x3FB3] =	sst s10  }
0x38: {  	s10 =	sld [smem:$0x3FB4]  }
0x39: {  	_ = 	snop;
	(pc) =	sbr.ind lr, $3  }
0x3a: {  	_ = 	snop  }
0x3b: {  	_ = 	snop  }
0x3c: {  	p2 =	seq.s32 s10, $0x1;
	s10 =	sld [smem:$0x3FB3]  }
0x3d: {  	_ =	shalt  }
0x3e: {  	_ =	shalt  }
0x3f: {  	_ =	shalt  }
0x40: {  	_ =	shalt  }
0x41: {  	_ =	shalt  }
0x42: {  	_ =	shalt  }
0x43: {  	_ =	shalt  }
0x44: {  	_ =	shalt  }
0x45: {  	_ =	shalt  }
0x46: {  	_ =	shalt  }
0x47: {  	_ =	shalt  }
0x48: {  	_ =	shalt  }
0x49: {  	_ =	shalt  }
0x4a: {  	_ =	shalt  }
0x4b: {  	_ =	shalt  }
0x4c: {  	_ =	shalt  }
0x4d: {  	_ =	shalt  }
0x4e: {  	_ =	shalt  }
0x4f: {  	_ =	shalt  }
0x50: {  	_ =	shalt  }
0x51: {  	_ =	shalt  }
0x52: {  	_ =	shalt  }
0x53: {  	_ =	shalt  }
0x54: {  	_ =	shalt  }
0x55: {  	_ =	shalt  }
0x56: {  	_ =	shalt  }
0x57: {  	_ =	shalt  }
0x58: {  	_ =	shalt  }
0x59: {  	_ =	shalt  }
0x5a: {  	_ =	shalt  }
0x5b: {  	_ =	shalt  }
0x5c: {  	_ =	shalt  }
0x5d: {  	_ =	shalt  }
0x5e: {  	_ =	shalt  }
0x5f: {  	_ =	shalt  }
0x60: {  	_ =	shalt  }
0x61: {  	_ =	shalt  }
0x62: {  	_ =	shalt  }
0x63: {  	_ =	shalt  }
0x64: {  	_ =	shalt  }
0x65: {  	_ =	shalt  }
0x66: {  	_ =	shalt  }
0x67: {  	_ =	shalt  }
0x68: {  	_ =	shalt  }
0x69: {  	_ =	shalt  }
0x6a: {  	_ =	shalt  }
0x6b: {  	_ =	shalt  }
0x6c: {  	_ =	shalt  }
0x6d: {  	_ =	shalt  }
0x6e: {  	_ =	shalt  }
0x6f: {  	_ =	shalt  }
0x70: {  	_ =	shalt  }
0x71: {  	_ =	shalt  }
0x72: {  	_ =	shalt  }
0x73: {  	_ =	shalt  }
0x74: {  	_ =	shalt  }
0x75: {  	_ =	shalt  }
0x76: {  	_ =	shalt  }
0x77: {  	_ =	shalt  }
0x78: {  	_ =	shalt  }
0x79: {  	_ =	shalt  }
0x7a: {  	_ =	shalt  }
0x7b: {  	_ =	shalt  }
0x7c: {  	_ =	shalt  }
0x7d: {  	_ =	shalt  }
0x7e: {  	_ =	shalt  }
0x7f: {  	_ =	shalt  }
0x80: {  	_ =	shalt  }
0x81: {  	_ =	shalt  }
0x82: {  	_ =	shalt  }
0x83: {  	_ =	shalt  }
0x84: {  	_ =	shalt  }
0x85: {  	_ =	shalt  }
0x86: {  	_ =	shalt  }
0x87: {  	_ =	shalt  }
.Lfunc_end0:
.L_simem_size_0:
called_computation_lowered:
.L_overlay_start_0:
0x88: {  	s2 =	sld [smem:$0x3FD9]  }
0x89: {  	s3 =	sld [smem:$0x3FFE];
	_ =	sdelay $0x1  }
0x8a: {  	s1 =	srdreg.scid  }
0x8b: {  	s0 =	sand.u32 $0x1, s1  }
0x8c: {  	s17 =	sshll.u32 s0, $0xA;
	s2 =	sadd.s32 s3, s2  }
0x8d: {  	s2 =	sadd.s32 s2, s17  }
0x8e: {  	[smem:$0x3FBF] =	sst s2  }
0x8f: {  	_ = 	snop  }
0x90: {  	s2 =	sld [smem:$0x3FD0];
	(tm) =	ssettm $0x1  }
0x91: {  	s18 =	sld [smem:$0x3FFB];
	_ =	sdelay $0x3  }
0x92: {  	_ =	strace s18  }
0x93: {  	s3 =	sld [smem:$0x3FFC];
	_ =	sdelay $0x3  }
0x94: {  	_ =	strace s3  }
0x95: {  	s3 =	sld [smem:$0x3FFD];
	_ =	sdelay $0x3  }
0x96: {  	_ =	strace s3  }
0x97: {  	_ =	strace $0x8FFFFFFF  }
0x98: {  	s19 =	sld [smem:$0x3FDB];
	_ =	sdelay $0x1  }
0x99: {  	s4 =	simm.s32 $_scs_section_size  }
0x9a: {  	s5 =	simm.s32 $_size__tile_overlayer_lowered;
	s6 =	simm.s32 $_tile_overlayer_lowered  }
0x9b: {  	s22 =	simm.s32 $0x1BFF;
	s21 =	sshll.u32 s6, $0x1;
	s3 =	sadd.s32 s4, s19  }
0x9c: {  	s7 =	simm.s32 $0x0;
	s20 =	sshll.u32 s5, $0x1;
	s5 =	sadd.s32 s21, s3  }
0x9d: {  	[timem:s7], [sflag:s22] =	dma.local [hbm:s5], s20  }
0x9e: {  	_ =	swait.ge [sflag:s22], s20  }
0x9f: {  	s4 =	ssub.s32 $0x0, s20;
	[sflag:s22] =	ssyncset.done $0x0  }
0xa0: {  	[sflag:s22] =	ssyncadd.s32 s4;
	_ =	sdelay $0x1  }
0xa1: {  	s23 =	simm.s32 $0x1B8B  }
0xa2: {  	_ =	swait.ge [sflag:s23], $0x1  }
0xa3: {  	[sflag:s23] =	ssyncset.done $0x0  }
0xa4: {  	s25 =	simm.s32 $0x1B8E;
	s24 =	sld [smem:$0x3FFE];
	[sflag:s23] =	ssyncadd.s32 $0xFFFFFFFF  }
0xa5: {  	s26 =	simm.s32 $execute0_lowered;
	[smem:$0x3FD2] =	sst s25  }
0xa6: {  	s5 =	sshll.u32 s26, $0x1;
	_ =	strace $0x80000046;
	[dreg:$0x1] =	wrdreg $0xFFFFFFFF  }
0xa7: {  	s28 =	simm.s32 $_size_execute0_lowered;
	s3 =	sadd.s32 s3, s5;
	[dreg:$0x0] =	wrdreg $0x0  }
0xa8: {  	s5 =	sshll.u32 s28, $0x1;
	[dreg:$0x2] =	wrdreg s3  }
0xa9: {  	[dreg:$0x3] =	wrdreg s5  }
0xaa: {  	[dreg:$0x4] =	wrdreg $0xC0  }
0xab: {  	_ =	task [dreg:s7], $0x5FFFF  }
0xac: {  	[dreg:$0x1] =	wrdreg $0xFFFFFFFF  }
0xad: {  	[dreg:$0x0] =	wrdreg $0x60  }
0xae: {  	[dreg:$0x2] =	wrdreg s2  }
0xaf: {  	[dreg:$0x3] =	wrdreg s24  }
0xb0: {  	[dreg:$0x4] =	wrdreg $0x9  }
0xb1: {  	_ =	task.clear_ibuf [dreg:s7], $0x5FFFF;
	_ =	strace $0x90000046  }
0xb2: {  	s29 =	simm.s32 $0x9;
	_ =	strace $0x80000048  }
0xb3: {  	_ =	swait.ge [sflag:s29], $0x1  }
0xb4: {  	[sflag:s29] =	ssyncadd.s32 $0xFFFFFFFF  }
0xb5: {  	_ =	strace $0x90000048  }
0xb6: {  	_ =	sfence  }
0xb7: {  	s30 =	sld [smem:$0x0];
	_ =	sdelay $0x2  }
0xb8: {  	s31 =	sshll.u32 s1, $0xD;
	s1 =	sshrl.u32 s1, $0x2  }
0xb9: {  	s3 =	sand.u32 $0x4000, s31;
	s1 =	sadd.s32 s1, s30  }
0xba: {  	s0 =	sor.u32 s3, s0;
	s1 =	sshll.u32 s1, $0x11  }
0xbb: {  	s0 =	sor.u32 s1, s0  }
0xbc: {  	s0 =	sadd.s32 $0x8F2B, s0  }
0xbd: {  	[sflag:s0] =	ssyncadd.remote.s32 $0x1  }
0xbe: {  	_ =	sfence.sel $0xFFFF  }
0xbf: {  	[dreg:$0x0] =	wrdreg $0xFFFFFFFF;
	(pc) =	sbr.abs _section_cstart, $3  }
0xc0: {  	[dreg:$0x1] =	wrdreg $0xFFFFFFFF  }
0xc1: {  	_ =	task.clear_ibuf [dreg:s7], $0x2FFFF;
	_ =	strace $0x9FFFFFFF  }
0xc2: {  	(tm) =	ssettm $0x7FFFFFFF  }
0xc3: {  	_ =	shalt  }
tec
execute0_lowered:
.L_overlay_start_1:
0x0: {  	(tag) =	ssettag $0x1  }
0x1: {  	s4 =	rddreg [dreg:$0x0]  }
0x2: {  	s7 =	rddreg [dreg:$0x1];
	s2 =	srdreg.scid  }
0x3: {  	s0 =	rddreg [dreg:$0x2];
	s1 =	stileid.u32  }
0x4: {  	s10 =	simm.s32 $0x8080;
	s11 =	simm.s32 $0x1;
	s12 =	simm.s32 $0x2  }
0x5: {  	s13 =	simm.s32 $0x3;
	s14 =	simm.s32 $0x800;
	s15 =	simm.s32 $0x1000  }
0x6: {  	s16 =	simm.s32 $0x1800;
	s17 =	simm.s32 $0x2000;
	s18 =	simm.s32 $0x2800  }
0x7: {  	s19 =	simm.s32 $0x3000;
	s20 =	simm.s32 $0x3800;
	s21 =	simm.s32 $0x4000  }
0x8: {  	s22 =	simm.s32 $0x4800;
	s23 =	simm.s32 $0x5000;
	s24 =	simm.s32 $0x5800  }
0x9: {  	s25 =	simm.s32 $0x6000;
	s26 =	simm.s32 $0x6800;
	s28 =	simm.s32 $0x7000  }
0xa: {  	s29 =	simm.s32 $0x7800;
	s3 =	sand.u32 $0x1, s2;
	s2 =	simm.s32 $0x0  }
0xb: {  	s5 =	sshll.u32 s1, $0x7;
	s6 =	sshll.u32 s3, $0x6;
	[smem:$0x7FF] =	sst s2  }
0xc: {  	s8 =	ssub.s32 $0x2, s3;
	s3 =	sadd.s32 $0x2C00, s7;
	s5 =	sor.u32 s6, s5  }
0xd: {  	_ =	strace $0x80000047;
	s9 =	sshrl.u32 s8, $0x1;
	s6 =	sshrl.u32 s5, $0x3  }
0xe: {  	v2 =	vlaneseq.u32;
	s5 =	sshll.u32 s5, $0x6;
	s8 =	ssub.s32 s8, s9;
	s9 =	simm.s32 $0x8000  }
0xf: {  	vm0 =	vmmov $0xffff;
	v1 =	vshrl.u32 v2, $0x3;
	s6 =	sadd.s32 s6, s7;
	s4 =	sadd.s32 s4, s5;
	s7 =	sadd.s32 $0x2D00, s7  }
0x10: {  	v0 =	vand.u32 $0x7, v2;
	v2 =	vor.u32 $0x8, v2;
	v1 =	vmul.u32 $0x8, v1;
	s8 =	smax.u32 s8, $0x1;
	s5 =	sadd.s32 $0x2800, s6;
	s6 =	sadd.s32 $0x2A00, s6  }
.LBB2_1:
0x11: {  	[tilespmem:s2], [sflag:$0x1] =	stream.linear.gather [hbm4b:s4+s2], $0x8000, $0x38;
	[tilespmem:$0x8100] =	vst v63  }
0x12: {  	_ = 	snop  }
0x13: {  	[tilespmem:s9], [sflag:$0x2] =	stream.linear.gather [hbm4b:s5+s2], $0x40, $0x38;
	[tilespmem:$0x8100] =	vst v63  }
0x14: {  	_ = 	snop  }
0x15: {  	[tilespmem:s10], [sflag:$0x3] =	stream.linear.gather [hbm4b:s6+s2], $0x40, $0x38;
	[tilespmem:$0x8100] =	vst v63  }
0x16: {  	_ =	swait.ge [sflag:s11], $0x8000  }
0x17: {  	[sflag:s11] =	ssyncset.done $0x0  }
0x18: {  	[sflag:s11] =	ssyncadd.s32 $0xFFFF8000  }
0x19: {  	_ =	swait.ge [sflag:s12], $0x40  }
0x1a: {  	[sflag:s12] =	ssyncset.done $0x0  }
0x1b: {  	[sflag:s12] =	ssyncadd.s32 $0xFFFFFFC0  }
0x1c: {  	_ =	swait.ge [sflag:s13], $0x40  }
0x1d: {  	[sflag:s13] =	ssyncset.done $0x0  }
0x1e: {  	[sflag:s13] =	ssyncadd.s32 $0xFFFFFFC0  }
0x1f: {  	v3 =	vld [tilespmem:$0x8000];
	_ =	sdelay $0x4  }
0x20: {  	v4 =	vshll.u32 v3, $0x2  }
0x21: {  	v3 =	vand.u32 $0x7, v3;
	v4 =	vand.u32 $0xFFFFFFE0, v4  }
0x22: {  	v3 =	vor.u32 v3, v4  }
0x23: {  	v4 =	vperm.xlane v3, v0;
	_ =	sdelay $0x1  }
0x24: {  	v4 =	vadd.s32 v1, v4;
	_ =	sdelay $0x1  }
0x25: {  	v3 =	vperm.xlane v3, v2;
	_ =	sdelay $0x1  }
0x26: {  	v3 =	vadd.s32 v1, v3  }
0x27: {  	[hbm4b:s3+s2] =	stream.indirect_vreg.scatter [tilespmem:s2], [sflag:$0x1], $0x80, v4, vm0, $0xb8;
	[tilespmem:$0x8100] =	vst v63  }
0x28: {  	_ = 	snop  }
0x29: {  	[hbm4b:s7+s2] =	stream.indirect_vreg.scatter [tilespmem:s14], [sflag:$0x1], $0x80, v4, vm0, $0xb8;
	[tilespmem:$0x8100] =	vst v63  }
0x2a: {  	_ = 	snop  }
0x2b: {  	[hbm4b:s3+s2] =	stream.indirect_vreg.scatter [tilespmem:s15], [sflag:$0x1], $0x80, v3, vm0, $0xb8;
	[tilespmem:$0x8100] =	vst v63  }
0x2c: {  	_ = 	snop  }
0x2d: {  	[hbm4b:s7+s2] =	stream.indirect_vreg.scatter [tilespmem:s16], [sflag:$0x1], $0x80, v3, vm0, $0xb8;
	[tilespmem:$0x8100] =	vst v63  }
0x2e: {  	v3 =	vld [tilespmem:$0x8010];
	_ =	sdelay $0x4  }
0x2f: {  	v57 =	vshll.u32 v3, $0x2  }
0x30: {  	v3 =	vand.u32 $0x7, v3;
	v4 =	vand.u32 $0xFFFFFFE0, v57  }
0x31: {  	v3 =	vor.u32 v3, v4  }
0x32: {  	v4 =	vperm.xlane v3, v0;
	_ =	sdelay $0x1  }
0x33: {  	v4 =	vadd.s32 v1, v4;
	_ =	sdelay $0x1  }
0x34: {  	v3 =	vperm.xlane v3, v2;
	_ =	sdelay $0x1  }
0x35: {  	v3 =	vadd.s32 v1, v3  }
0x36: {  	[hbm4b:s3+s2] =	stream.indirect_vreg.scatter [tilespmem:s17], [sflag:$0x1], $0x80, v4, vm0, $0xb8;
	[tilespmem:$0x8100] =	vst v63  }
0x37: {  	_ = 	snop  }
0x38: {  	[hbm4b:s7+s2] =	stream.indirect_vreg.scatter [tilespmem:s18], [sflag:$0x1], $0x80, v4, vm0, $0xb8;
	[tilespmem:$0x8100] =	vst v63  }
0x39: {  	_ = 	snop  }
0x3a: {  	[hbm4b:s3+s2] =	stream.indirect_vreg.scatter [tilespmem:s19], [sflag:$0x1], $0x80, v3, vm0, $0xb8;
	[tilespmem:$0x8100] =	vst v63  }
0x3b: {  	_ = 	snop  }
0x3c: {  	[hbm4b:s7+s2] =	stream.indirect_vreg.scatter [tilespmem:s20], [sflag:$0x1], $0x80, v3, vm0, $0xb8;
	[tilespmem:$0x8100] =	vst v63  }
0x3d: {  	v3 =	vld [tilespmem:$0x8020];
	_ =	sdelay $0x4  }
0x3e: {  	v58 =	vshll.u32 v3, $0x2  }
0x3f: {  	v3 =	vand.u32 $0x7, v3;
	v4 =	vand.u32 $0xFFFFFFE0, v58  }
0x40: {  	v3 =	vor.u32 v3, v4  }
0x41: {  	v4 =	vperm.xlane v3, v0;
	_ =	sdelay $0x1  }
0x42: {  	v4 =	vadd.s32 v1, v4;
	_ =	sdelay $0x1  }
0x43: {  	v3 =	vperm.xlane v3, v2;
	_ =	sdelay $0x1  }
0x44: {  	v3 =	vadd.s32 v1, v3  }
0x45: {  	[hbm4b:s3+s2] =	stream.indirect_vreg.scatter [tilespmem:s21], [sflag:$0x1], $0x80, v4, vm0, $0xb8;
	[tilespmem:$0x8100] =	vst v63  }
0x46: {  	_ = 	snop  }
0x47: {  	[hbm4b:s7+s2] =	stream.indirect_vreg.scatter [tilespmem:s22], [sflag:$0x1], $0x80, v4, vm0, $0xb8;
	[tilespmem:$0x8100] =	vst v63  }
0x48: {  	_ = 	snop  }
0x49: {  	[hbm4b:s3+s2] =	stream.indirect_vreg.scatter [tilespmem:s23], [sflag:$0x1], $0x80, v3, vm0, $0xb8;
	[tilespmem:$0x8100] =	vst v63  }
0x4a: {  	_ = 	snop  }
0x4b: {  	[hbm4b:s7+s2] =	stream.indirect_vreg.scatter [tilespmem:s24], [sflag:$0x1], $0x80, v3, vm0, $0xb8;
	[tilespmem:$0x8100] =	vst v63  }
0x4c: {  	v3 =	vld [tilespmem:$0x8030];
	_ =	sdelay $0x4  }
0x4d: {  	v59 =	vshll.u32 v3, $0x2  }
0x4e: {  	v3 =	vand.u32 $0x7, v3;
	v4 =	vand.u32 $0xFFFFFFE0, v59  }
0x4f: {  	v3 =	vor.u32 v3, v4  }
0x50: {  	v4 =	vperm.xlane v3, v0;
	_ =	sdelay $0x1  }
0x51: {  	v4 =	vadd.s32 v1, v4;
	_ =	sdelay $0x1  }
0x52: {  	v3 =	vperm.xlane v3, v2;
	_ =	sdelay $0x1  }
0x53: {  	v3 =	vadd.s32 v1, v3  }
0x54: {  	[hbm4b:s3+s2] =	stream.indirect_vreg.scatter [tilespmem:s25], [sflag:$0x1], $0x80, v4, vm0, $0xb8;
	[tilespmem:$0x8100] =	vst v63  }
0x55: {  	_ = 	snop  }
0x56: {  	[hbm4b:s7+s2] =	stream.indirect_vreg.scatter [tilespmem:s26], [sflag:$0x1], $0x80, v4, vm0, $0xb8;
	[tilespmem:$0x8100] =	vst v63  }
0x57: {  	_ = 	snop  }
0x58: {  	[hbm4b:s3+s2] =	stream.indirect_vreg.scatter [tilespmem:s28], [sflag:$0x1], $0x80, v3, vm0, $0xb8;
	[tilespmem:$0x8100] =	vst v63  }
0x59: {  	_ = 	snop  }
0x5a: {  	[hbm4b:s7+s2] =	stream.indirect_vreg.scatter [tilespmem:s29], [sflag:$0x1], $0x80, v3, vm0, $0xb8;
	[tilespmem:$0x8100] =	vst v63  }
0x5b: {  	v3 =	vld [tilespmem:$0x8080];
	_ =	sdelay $0x4  }
0x5c: {  	v60 =	vshll.u32 v3, $0x2  }
0x5d: {  	v3 =	vand.u32 $0x7, v3;
	v4 =	vand.u32 $0xFFFFFFE0, v60  }
0x5e: {  	v3 =	vor.u32 v3, v4  }
0x5f: {  	v4 =	vperm.xlane v3, v0;
	_ =	sdelay $0x1  }
0x60: {  	v4 =	vadd.s32 v1, v4;
	_ =	sdelay $0x1  }
0x61: {  	v3 =	vperm.xlane v3, v2;
	_ =	sdelay $0x1  }
0x62: {  	v3 =	vadd.s32 v1, v3  }
0x63: {  	[hbm4b:s3+s2] =	stream.indirect_vreg.scatter [tilespmem:s2], [sflag:$0x2], $0x80, v4, vm0, $0xb8;
	[tilespmem:$0x8100] =	vst v63  }
0x64: {  	_ = 	snop  }
0x65: {  	[hbm4b:s7+s2] =	stream.indirect_vreg.scatter [tilespmem:s14], [sflag:$0x2], $0x80, v4, vm0, $0xb8;
	[tilespmem:$0x8100] =	vst v63  }
0x66: {  	_ = 	snop  }
0x67: {  	[hbm4b:s3+s2] =	stream.indirect_vreg.scatter [tilespmem:s15], [sflag:$0x2], $0x80, v3, vm0, $0xb8;
	[tilespmem:$0x8100] =	vst v63  }
0x68: {  	_ = 	snop  }
0x69: {  	[hbm4b:s7+s2] =	stream.indirect_vreg.scatter [tilespmem:s16], [sflag:$0x2], $0x80, v3, vm0, $0xb8;
	[tilespmem:$0x8100] =	vst v63  }
0x6a: {  	v3 =	vld [tilespmem:$0x8090];
	_ =	sdelay $0x4  }
0x6b: {  	v61 =	vshll.u32 v3, $0x2  }
0x6c: {  	v3 =	vand.u32 $0x7, v3;
	v4 =	vand.u32 $0xFFFFFFE0, v61  }
0x6d: {  	v3 =	vor.u32 v3, v4  }
0x6e: {  	v4 =	vperm.xlane v3, v0;
	_ =	sdelay $0x1  }
0x6f: {  	v4 =	vadd.s32 v1, v4;
	_ =	sdelay $0x1  }
0x70: {  	v3 =	vperm.xlane v3, v2;
	_ =	sdelay $0x1  }
0x71: {  	v3 =	vadd.s32 v1, v3  }
0x72: {  	[hbm4b:s3+s2] =	stream.indirect_vreg.scatter [tilespmem:s17], [sflag:$0x2], $0x80, v4, vm0, $0xb8;
	[tilespmem:$0x8100] =	vst v63  }
0x73: {  	_ = 	snop  }
0x74: {  	[hbm4b:s7+s2] =	stream.indirect_vreg.scatter [tilespmem:s18], [sflag:$0x2], $0x80, v4, vm0, $0xb8;
	[tilespmem:$0x8100] =	vst v63  }
0x75: {  	_ = 	snop  }
0x76: {  	[hbm4b:s3+s2] =	stream.indirect_vreg.scatter [tilespmem:s19], [sflag:$0x2], $0x80, v3, vm0, $0xb8;
	[tilespmem:$0x8100] =	vst v63  }
0x77: {  	_ = 	snop  }
0x78: {  	[hbm4b:s7+s2] =	stream.indirect_vreg.scatter [tilespmem:s20], [sflag:$0x2], $0x80, v3, vm0, $0xb8;
	[tilespmem:$0x8100] =	vst v63  }
0x79: {  	v3 =	vld [tilespmem:$0x80A0];
	_ =	sdelay $0x4  }
0x7a: {  	v62 =	vshll.u32 v3, $0x2  }
0x7b: {  	v3 =	vand.u32 $0x7, v3;
	v4 =	vand.u32 $0xFFFFFFE0, v62  }
0x7c: {  	v3 =	vor.u32 v3, v4  }
0x7d: {  	v4 =	vperm.xlane v3, v0;
	_ =	sdelay $0x1  }
0x7e: {  	v4 =	vadd.s32 v1, v4;
	_ =	sdelay $0x1  }
0x7f: {  	v3 =	vperm.xlane v3, v2;
	_ =	sdelay $0x1  }
0x80: {  	v3 =	vadd.s32 v1, v3  }
0x81: {  	[hbm4b:s3+s2] =	stream.indirect_vreg.scatter [tilespmem:s21], [sflag:$0x2], $0x80, v4, vm0, $0xb8;
	[tilespmem:$0x8100] =	vst v63  }
0x82: {  	_ = 	snop  }
0x83: {  	[hbm4b:s7+s2] =	stream.indirect_vreg.scatter [tilespmem:s22], [sflag:$0x2], $0x80, v4, vm0, $0xb8;
	[tilespmem:$0x8100] =	vst v63  }
0x84: {  	_ = 	snop  }
0x85: {  	[hbm4b:s3+s2] =	stream.indirect_vreg.scatter [tilespmem:s23], [sflag:$0x2], $0x80, v3, vm0, $0xb8;
	[tilespmem:$0x8100] =	vst v63  }
0x86: {  	_ = 	snop  }
0x87: {  	[hbm4b:s7+s2] =	stream.indirect_vreg.scatter [tilespmem:s24], [sflag:$0x2], $0x80, v3, vm0, $0xb8;
	[tilespmem:$0x8100] =	vst v63  }
0x88: {  	v3 =	vld [tilespmem:$0x80B0];
	_ =	sdelay $0x4  }
0x89: {  	v63 =	vshll.u32 v3, $0x2  }
0x8a: {  	v3 =	vand.u32 $0x7, v3;
	v4 =	vand.u32 $0xFFFFFFE0, v63  }
0x8b: {  	v3 =	vor.u32 v3, v4  }
0x8c: {  	v4 =	vperm.xlane v3, v0;
	_ =	sdelay $0x1  }
0x8d: {  	v4 =	vadd.s32 v1, v4;
	_ =	sdelay $0x1  }
0x8e: {  	v3 =	vperm.xlane v3, v2;
	_ =	sdelay $0x1  }
0x8f: {  	v3 =	vadd.s32 v1, v3  }
0x90: {  	[hbm4b:s3+s2] =	stream.indirect_vreg.scatter [tilespmem:s25], [sflag:$0x2], $0x80, v4, vm0, $0xb8;
	[tilespmem:$0x8100] =	vst v63  }
0x91: {  	_ = 	snop  }
0x92: {  	[hbm4b:s7+s2] =	stream.indirect_vreg.scatter [tilespmem:s26], [sflag:$0x2], $0x80, v4, vm0, $0xb8;
	[tilespmem:$0x8100] =	vst v63  }
0x93: {  	_ = 	snop  }
0x94: {  	[hbm4b:s3+s2] =	stream.indirect_vreg.scatter [tilespmem:s28], [sflag:$0x2], $0x80, v3, vm0, $0xb8;
	[tilespmem:$0x8100] =	vst v63  }
0x95: {  	_ = 	snop  }
0x96: {  	[hbm4b:s7+s2] =	stream.indirect_vreg.scatter [tilespmem:s29], [sflag:$0x2], $0x80, v3, vm0, $0xb8;
	[tilespmem:$0x8100] =	vst v63  }
0x97: {  	p0 =	sne.s32 s8, $0x1;
	_ =	swait.ge [sflag:s11], $0x8000  }
.Ltmp0:
0x98: {  	[sflag:s11] =	ssyncset.done $0x0;
	(pc) =	sbr.rel @p0 .LBB2_1-.Ltmp0, $4  }
0x99: {  	[sflag:s11] =	ssyncadd.s32 $0xFFFF8000  }
0x9a: {  	_ =	swait.ge [sflag:s12], $0x8000  }
0x9b: {  	[sflag:s12] =	ssyncset.done $0x0  }
0x9c: {  	s8 =	sadd.s32 $0xFFFFFFFF, s8;
	[sflag:s12] =	ssyncadd.s32 $0xFFFF8000  }
0x9d: {  	_ =	sfence.sel $0x180000  }
0x9e: {  	[bflag:$0x0] =	sbarrier.arrive $0xFFFF  }
0x9f: {  	p0 =	sne.s32 s1, $0x0;
	_ =	strace $0x90000047  }
0xa0: {  	s0 =	sadd.s32 @!p0 $0x100000, s0;
	[bflag:$0x2] =	sbarrier.arrive $0xFFFF  }
0xa1: {  	[sflag:s0] =	ssyncadd.tile.s32 @!p0 $0x1;
	_ =	shalt  }
.Lfunc_end2:
_tile_overlayer_lowered:
.L_overlay_start_2:
0xa2: {  	(tag) =	ssettag $0x2  }
0xa3: {  	s0 =	rddreg [dreg:$0x0];
	s2 =	stileid.u32  }
0xa4: {  	s1 =	rddreg [dreg:$0x1];
	p0 =	sne.s32 s2, $0x0  }
0xa5: {  	s3 =	rddreg [dreg:$0x2];
	[bflag:$0x3] =	sbarrier.arrive $0xFFFF;
	s2 =	simm.s32 @!p0 $0x1C04  }
0xa6: {  	[timem:s3], [sflag:s2] =	dma.local @!p0 [hbm:s0], s1  }
0xa7: {  	s0 =	simm.s32 @!p0 $0x4  }
0xa8: {  	_ =	swait.ge @!p0 [sflag:s0], s1  }
0xa9: {  	s1 =	ssub.s32 @!p0 $0x0, s1;
	[sflag:s0] =	ssyncset.done @!p0 $0x0  }
0xaa: {  	[sflag:s0] =	ssyncadd.s32 @!p0 s1  }
0xab: {  	[bflag:$0x3] =	sbarrier.arrive $0xFFFF  }
0xac: {  	_ =	shalt  }

</sc_bundles>
